<compile_context>
chip_gen: v7x
topology: tpu7x:2x2x1
jax: 0.10.2.dev20260603
libtpu: 0.0.44.dev20260713+nightly
codegen_flags: <defaults>
</compile_context>

<pallas_src>
import jax
import jax.numpy as jnp
from jax import lax
from jax.experimental import pallas as pl
from jax.experimental.pallas import tpu as pltpu
from jax.experimental.pallas import tpu_sc as plsc

VOCAB = 1000000
EMBED_DIM = 32
BATCH = 4096
HIST = 200

NC = 2
NS = 16
NW = NC * NS
BPW = BATCH // NW
DT = EMBED_DIM // 8
CH = 4
NBUF = 2
L = 16


def _emb_body(xt_hbm, table_hbm, out_hbm, idxt_v, idx1d_v, rows_v, tr_v, gsems, wsems):
    wid = lax.axis_index("s") * NC + lax.axis_index("c")
    b0 = wid * BPW

    pltpu.sync_copy(xt_hbm.at[:, pl.ds(b0, BPW)], idxt_v)

    lanes = lax.iota(jnp.int32, L)
    l_vecs = [lanes + (k * L) for k in range(BPW // L)]

    @plsc.parallel_loop(0, HIST, step=1, unroll=8)
    def _flatten(h):
        for k in range(BPW // L):
            idx1d_v[pl.ds(h * BPW + k * L, L)] = idxt_v[h, pl.ds(k * L, L)]

    def fire_gather(c, b):
        pltpu.async_copy(
            table_hbm.at[idx1d_v.at[pl.ds(c * CH * BPW, CH * BPW)]],
            rows_v.at[b],
            gsems.at[b],
        )

    def drain_gather(b):
        pltpu.make_async_copy(
            table_hbm.at[pl.ds(0, CH * BPW)], rows_v.at[b], gsems.at[b]
        ).wait()

    def transpose(b):
        @plsc.parallel_loop(0, CH * EMBED_DIM, step=1, unroll=8)
        def _i(i):
            hh = i // EMBED_DIM
            d = lax.rem(i, EMBED_DIM)
            d_vec = jnp.full((L,), 0, jnp.int32) + d
            dt = d // 8
            ds = lax.rem(d, 8)
            row0 = hh * BPW
            for k in range(BPW // L):
                vals = plsc.load_gather(rows_v.at[b], [l_vecs[k] + row0, d_vec])
                tr_v[b, hh, dt, ds, pl.ds(k * L, L)] = vals

    def fire_write(c, b):
        pltpu.async_copy(
            tr_v.at[b], out_hbm.at[pl.ds(c * CH, CH)].at[:, :, wid], wsems.at[b]
        )

    def drain_write(b):
        pltpu.make_async_copy(
            tr_v.at[b], out_hbm.at[pl.ds(0, CH)].at[:, :, 0], wsems.at[b]
        ).wait()

    for b in range(NBUF):
        fire_gather(b, b)

    @pl.loop(0, HIST // CH, step=NBUF)
    def _steps(g):
        for b in range(NBUF):
            c = g + b
            drain_gather(b)

            @pl.when(c >= NBUF)
            def _():
                drain_write(b)

            transpose(b)
            fire_write(c, b)

            @pl.when(c + NBUF < HIST // CH)
            def _():
                fire_gather(c + NBUF, b)

    for b in range(NBUF):
        drain_write(b)


@jax.jit
def _emb_call(xt, table):
    mesh = plsc.VectorSubcoreMesh(core_axis_name="c", subcore_axis_name="s")
    f = pl.kernel(
        _emb_body,
        out_type=jax.ShapeDtypeStruct((HIST, DT, NW, 8, BPW), jnp.float32),
        mesh=mesh,
        scratch_types=[
            pltpu.VMEM((HIST, BPW), jnp.int32),
            pltpu.VMEM((HIST * BPW,), jnp.int32),
            pltpu.VMEM((NBUF, CH * BPW, EMBED_DIM), jnp.float32),
            pltpu.VMEM((NBUF, CH, DT, 8, BPW), jnp.float32),
            pltpu.SemaphoreType.DMA((NBUF,)),
            pltpu.SemaphoreType.DMA((NBUF,)),
        ],
        compiler_params=pltpu.CompilerParams(
            use_tc_tiling_on_sc=False, needs_layout_passes=False
        ),
    )
    return f(xt, table)


def kernel(x, table):
    k = _emb_call(x.astype(jnp.int32).T, table)
    return k.transpose(2, 4, 0, 1, 3).reshape(BATCH, HIST, EMBED_DIM)

# --- scband reference (transcript-rebuilt; emitter-appended) ---
"""Pipeline reference for scband-token-embedding-64407329571234 (READ-ONLY COPY).

The authoritative reference and input builder live on the scoring server;
editing this copy changes nothing except your own understanding.
"""

import jax, jax.numpy as jnp
import numpy as np

VOCAB = 1000000
EMBED_DIM = 32
BATCH = 4096
HIST = 200

def setup_inputs(seed: int = 0) -> dict:
    key = jax.random.key(seed)
    k_idx, k_tab = jax.random.split(key)
    x = jax.random.randint(k_idx, (BATCH, HIST), 0, VOCAB, dtype=jnp.int64 if jax.config.jax_enable_x64 else jnp.int32)
    table = jax.random.normal(k_tab, (VOCAB, EMBED_DIM), dtype=jnp.float32) * 0.02
    return {"x": x, "table": table}

def reference(x, table):
    # Embedding lookup: gather rows of table by index
    return jnp.take(table, x, axis=0)

if __name__ == "__main__":
    import jax
    _d = setup_inputs()
    print(jax.jit(kernel)(*tuple(_d.values())))

</pallas_src>

<mosaic_0001>
#map = affine_map<(d0, d1) -> (0, 0)>
#map1 = affine_map<(d0, d1) -> (0, 0, 0, 0, 0)>
module attributes {stable_mosaic.version = 14 : i64} {
  func.func @_emb_body(%arg0: i32, %arg1: i32, %arg2: memref<200x4096xi32, #tpu.memory_space<hbm>>, %arg3: memref<1000000x32xf32, #tpu.memory_space<hbm>>, %arg4: memref<200x4x32x8x128xf32, #tpu.memory_space<hbm>>, %arg5: memref<200x128xi32, #tpu.memory_space<vmem>>, %arg6: memref<25600xi32, #tpu.memory_space<vmem>>, %arg7: memref<2x512x32xf32, #tpu.memory_space<vmem>>, %arg8: memref<2x4x4x8x128xf32, #tpu.memory_space<vmem>>, %arg9: memref<2x!tpu.dma_semaphore, #tpu.memory_space<semaphore_mem>>, %arg10: memref<2x!tpu.dma_semaphore, #tpu.memory_space<semaphore_mem>>) attributes {dimension_semantics = [#tpu.dimension_semantics<core_parallel>, #tpu.dimension_semantics<subcore_parallel>], iteration_bounds = array<i64: 2, 16>, scalar_prefetch = 0 : i64, scratch_operands = 6 : i64, tpu.core_type = #tpu.core_type<sc_vector_subcore>, window_params = [{transform_indices = #map}, {transform_indices = #map}, {transform_indices = #map1}]} {
    %mul3A = arith.constant 2 : i32
    %mul3A_0 = arith.muli %arg1, %mul3A : i32
    %add3A = arith.addi %mul3A_0, %arg0 : i32
    %mul3A_1 = arith.constant 128 : i32
    %mul3A_2 = arith.muli %add3A, %mul3A_1 : i32
    "tpu.region"() ({
      %run_scoped3A = tpu.sem_alloc : memref<!tpu.dma_semaphore, #tpu.memory_space<semaphore_mem>>
      %dma_start3A_139 = arith.constant 0 : i32
      %dma_start3A_140 = tpu.memref_slice %arg2[%dma_start3A_139, %mul3A_2] : memref<200x4096xi32, #tpu.memory_space<hbm>> -> memref<200x128xi32, #tpu.memory_space<hbm>>
      %dma_start3A_141 = arith.constant 0 : i32
      %dma_start3A_142 = tpu.memref_slice %arg2[%dma_start3A_141, %mul3A_2] : memref<200x4096xi32, #tpu.memory_space<hbm>> -> memref<200x128xi32, #tpu.memory_space<hbm>>
      tpu.enqueue_dma source(%dma_start3A_142 : memref<200x128xi32, #tpu.memory_space<hbm>>) target(%arg5 : memref<200x128xi32, #tpu.memory_space<vmem>>) target_semaphore(%run_scoped3A : memref<!tpu.dma_semaphore, #tpu.memory_space<semaphore_mem>>)
      %dma_wait3A_143 = arith.constant 0 : i32
      %dma_wait3A_144 = tpu.memref_slice %arg2[%dma_wait3A_143, %mul3A_2] : memref<200x4096xi32, #tpu.memory_space<hbm>> -> memref<200x128xi32, #tpu.memory_space<hbm>>
      %dma_wait3A_145 = arith.constant 0 : i32
      %dma_wait3A_146 = tpu.memref_slice %arg2[%dma_wait3A_145, %mul3A_2] : memref<200x4096xi32, #tpu.memory_space<hbm>> -> memref<200x128xi32, #tpu.memory_space<hbm>>
      tpu.wait_dma2 semaphore(%run_scoped3A : memref<!tpu.dma_semaphore, #tpu.memory_space<semaphore_mem>>) src(%dma_wait3A_146 : memref<200x128xi32, #tpu.memory_space<hbm>>) dst(%arg5 : memref<200x128xi32, #tpu.memory_space<vmem>>)
      tpu.yield
    }) : () -> ()
    %iota3A = tpu.iota {dimensions = array<i32: 0>} : vector<16xi32>
    %add3A_3 = arith.constant 0 : i32
    %add3A_4 = vector.broadcast %add3A_3 : i32 to vector<16xi32>
    %add3A_5 = arith.addi %iota3A, %add3A_4 : vector<16xi32>
    %add3A_6 = arith.constant 16 : i32
    %add3A_7 = vector.broadcast %add3A_6 : i32 to vector<16xi32>
    %add3A_8 = arith.addi %iota3A, %add3A_7 : vector<16xi32>
    %add3A_9 = arith.constant 32 : i32
    %add3A_10 = vector.broadcast %add3A_9 : i32 to vector<16xi32>
    %add3A_11 = arith.addi %iota3A, %add3A_10 : vector<16xi32>
    %add3A_12 = arith.constant 48 : i32
    %add3A_13 = vector.broadcast %add3A_12 : i32 to vector<16xi32>
    %add3A_14 = arith.addi %iota3A, %add3A_13 : vector<16xi32>
    %add3A_15 = arith.constant 64 : i32
    %add3A_16 = vector.broadcast %add3A_15 : i32 to vector<16xi32>
    %add3A_17 = arith.addi %iota3A, %add3A_16 : vector<16xi32>
    %add3A_18 = arith.constant 80 : i32
    %add3A_19 = vector.broadcast %add3A_18 : i32 to vector<16xi32>
    %add3A_20 = arith.addi %iota3A, %add3A_19 : vector<16xi32>
    %add3A_21 = arith.constant 96 : i32
    %add3A_22 = vector.broadcast %add3A_21 : i32 to vector<16xi32>
    %add3A_23 = arith.addi %iota3A, %add3A_22 : vector<16xi32>
    %add3A_24 = arith.constant 112 : i32
    %add3A_25 = vector.broadcast %add3A_24 : i32 to vector<16xi32>
    %add3A_26 = arith.addi %iota3A, %add3A_25 : vector<16xi32>
    %parallel_loop3A = arith.constant 0 : i32
    %parallel_loop3A_27 = arith.constant 200 : i32
    %parallel_loop3A_28 = arith.constant 1 : i32
    scf.for %parallel_loop3A_139 = %parallel_loop3A to %parallel_loop3A_27 step %parallel_loop3A_28  : i32 {
      %parallel_loop3A_140 = arith.index_cast %parallel_loop3A_139 : i32 to index
      %parallel_loop3A_141 = arith.constant 0 : index
      %parallel_loop3A_142 = tpu.vector_load %arg5[%parallel_loop3A_140, %parallel_loop3A_141] {strides = array<i32>} : memref<200x128xi32, #tpu.memory_space<vmem>>, vector<16xi32>,
      %parallel_loop3A_143 = arith.constant 128 : i32
      %parallel_loop3A_144 = arith.muli %parallel_loop3A_139, %parallel_loop3A_143 : i32
      %parallel_loop3A_145 = arith.constant 0 : i32
      %parallel_loop3A_146 = arith.addi %parallel_loop3A_144, %parallel_loop3A_145 : i32
      %parallel_loop3A_147 = arith.index_cast %parallel_loop3A_146 : i32 to index
      %parallel_loop3A_148 = tpu.vector_load %arg6[%parallel_loop3A_147] {strides = array<i32>} : memref<25600xi32, #tpu.memory_space<vmem>>, vector<16xi32>,
      tpu.vector_store %arg6[%parallel_loop3A_147], %parallel_loop3A_142 {strides = array<i32>} : memref<25600xi32, #tpu.memory_space<vmem>>, vector<16xi32>,
      %parallel_loop3A_149 = arith.index_cast %parallel_loop3A_139 : i32 to index
      %parallel_loop3A_150 = arith.constant 16 : index
      %parallel_loop3A_151 = tpu.vector_load %arg5[%parallel_loop3A_149, %parallel_loop3A_150] {strides = array<i32>} : memref<200x128xi32, #tpu.memory_space<vmem>>, vector<16xi32>,
      %parallel_loop3A_152 = arith.constant 128 : i32
      %parallel_loop3A_153 = arith.muli %parallel_loop3A_139, %parallel_loop3A_152 : i32
      %parallel_loop3A_154 = arith.constant 16 : i32
      %parallel_loop3A_155 = arith.addi %parallel_loop3A_153, %parallel_loop3A_154 : i32
      %parallel_loop3A_156 = arith.index_cast %parallel_loop3A_155 : i32 to index
      %parallel_loop3A_157 = tpu.vector_load %arg6[%parallel_loop3A_156] {strides = array<i32>} : memref<25600xi32, #tpu.memory_space<vmem>>, vector<16xi32>,
      tpu.vector_store %arg6[%parallel_loop3A_156], %parallel_loop3A_151 {strides = array<i32>} : memref<25600xi32, #tpu.memory_space<vmem>>, vector<16xi32>,
      %parallel_loop3A_158 = arith.index_cast %parallel_loop3A_139 : i32 to index
      %parallel_loop3A_159 = arith.constant 32 : index
      %parallel_loop3A_160 = tpu.vector_load %arg5[%parallel_loop3A_158, %parallel_loop3A_159] {strides = array<i32>} : memref<200x128xi32, #tpu.memory_space<vmem>>, vector<16xi32>,
      %parallel_loop3A_161 = arith.constant 128 : i32
      %parallel_loop3A_162 = arith.muli %parallel_loop3A_139, %parallel_loop3A_161 : i32
      %parallel_loop3A_163 = arith.constant 32 : i32
      %parallel_loop3A_164 = arith.addi %parallel_loop3A_162, %parallel_loop3A_163 : i32
      %parallel_loop3A_165 = arith.index_cast %parallel_loop3A_164 : i32 to index
      %parallel_loop3A_166 = tpu.vector_load %arg6[%parallel_loop3A_165] {strides = array<i32>} : memref<25600xi32, #tpu.memory_space<vmem>>, vector<16xi32>,
      tpu.vector_store %arg6[%parallel_loop3A_165], %parallel_loop3A_160 {strides = array<i32>} : memref<25600xi32, #tpu.memory_space<vmem>>, vector<16xi32>,
      %parallel_loop3A_167 = arith.index_cast %parallel_loop3A_139 : i32 to index
      %parallel_loop3A_168 = arith.constant 48 : index
      %parallel_loop3A_169 = tpu.vector_load %arg5[%parallel_loop3A_167, %parallel_loop3A_168] {strides = array<i32>} : memref<200x128xi32, #tpu.memory_space<vmem>>, vector<16xi32>,
      %parallel_loop3A_170 = arith.constant 128 : i32
      %parallel_loop3A_171 = arith.muli %parallel_loop3A_139, %parallel_loop3A_170 : i32
      %parallel_loop3A_172 = arith.constant 48 : i32
      %parallel_loop3A_173 = arith.addi %parallel_loop3A_171, %parallel_loop3A_172 : i32
      %parallel_loop3A_174 = arith.index_cast %parallel_loop3A_173 : i32 to index
      %parallel_loop3A_175 = tpu.vector_load %arg6[%parallel_loop3A_174] {strides = array<i32>} : memref<25600xi32, #tpu.memory_space<vmem>>, vector<16xi32>,
      tpu.vector_store %arg6[%parallel_loop3A_174], %parallel_loop3A_169 {strides = array<i32>} : memref<25600xi32, #tpu.memory_space<vmem>>, vector<16xi32>,
      %parallel_loop3A_176 = arith.index_cast %parallel_loop3A_139 : i32 to index
      %parallel_loop3A_177 = arith.constant 64 : index
      %parallel_loop3A_178 = tpu.vector_load %arg5[%parallel_loop3A_176, %parallel_loop3A_177] {strides = array<i32>} : memref<200x128xi32, #tpu.memory_space<vmem>>, vector<16xi32>,
      %parallel_loop3A_179 = arith.constant 128 : i32
      %parallel_loop3A_180 = arith.muli %parallel_loop3A_139, %parallel_loop3A_179 : i32
      %parallel_loop3A_181 = arith.constant 64 : i32
      %parallel_loop3A_182 = arith.addi %parallel_loop3A_180, %parallel_loop3A_181 : i32
      %parallel_loop3A_183 = arith.index_cast %parallel_loop3A_182 : i32 to index
      %parallel_loop3A_184 = tpu.vector_load %arg6[%parallel_loop3A_183] {strides = array<i32>} : memref<25600xi32, #tpu.memory_space<vmem>>, vector<16xi32>,
      tpu.vector_store %arg6[%parallel_loop3A_183], %parallel_loop3A_178 {strides = array<i32>} : memref<25600xi32, #tpu.memory_space<vmem>>, vector<16xi32>,
      %parallel_loop3A_185 = arith.index_cast %parallel_loop3A_139 : i32 to index
      %parallel_loop3A_186 = arith.constant 80 : index
      %parallel_loop3A_187 = tpu.vector_load %arg5[%parallel_loop3A_185, %parallel_loop3A_186] {strides = array<i32>} : memref<200x128xi32, #tpu.memory_space<vmem>>, vector<16xi32>,
      %parallel_loop3A_188 = arith.constant 128 : i32
      %parallel_loop3A_189 = arith.muli %parallel_loop3A_139, %parallel_loop3A_188 : i32
      %parallel_loop3A_190 = arith.constant 80 : i32
      %parallel_loop3A_191 = arith.addi %parallel_loop3A_189, %parallel_loop3A_190 : i32
      %parallel_loop3A_192 = arith.index_cast %parallel_loop3A_191 : i32 to index
      %parallel_loop3A_193 = tpu.vector_load %arg6[%parallel_loop3A_192] {strides = array<i32>} : memref<25600xi32, #tpu.memory_space<vmem>>, vector<16xi32>,
      tpu.vector_store %arg6[%parallel_loop3A_192], %parallel_loop3A_187 {strides = array<i32>} : memref<25600xi32, #tpu.memory_space<vmem>>, vector<16xi32>,
      %parallel_loop3A_194 = arith.index_cast %parallel_loop3A_139 : i32 to index
      %parallel_loop3A_195 = arith.constant 96 : index
      %parallel_loop3A_196 = tpu.vector_load %arg5[%parallel_loop3A_194, %parallel_loop3A_195] {strides = array<i32>} : memref<200x128xi32, #tpu.memory_space<vmem>>, vector<16xi32>,
      %parallel_loop3A_197 = arith.constant 128 : i32
      %parallel_loop3A_198 = arith.muli %parallel_loop3A_139, %parallel_loop3A_197 : i32
      %parallel_loop3A_199 = arith.constant 96 : i32
      %parallel_loop3A_200 = arith.addi %parallel_loop3A_198, %parallel_loop3A_199 : i32
      %parallel_loop3A_201 = arith.index_cast %parallel_loop3A_200 : i32 to index
      %parallel_loop3A_202 = tpu.vector_load %arg6[%parallel_loop3A_201] {strides = array<i32>} : memref<25600xi32, #tpu.memory_space<vmem>>, vector<16xi32>,
      tpu.vector_store %arg6[%parallel_loop3A_201], %parallel_loop3A_196 {strides = array<i32>} : memref<25600xi32, #tpu.memory_space<vmem>>, vector<16xi32>,
      %parallel_loop3A_203 = arith.index_cast %parallel_loop3A_139 : i32 to index
      %parallel_loop3A_204 = arith.constant 112 : index
      %parallel_loop3A_205 = tpu.vector_load %arg5[%parallel_loop3A_203, %parallel_loop3A_204] {strides = array<i32>} : memref<200x128xi32, #tpu.memory_space<vmem>>, vector<16xi32>,
      %parallel_loop3A_206 = arith.constant 128 : i32
      %parallel_loop3A_207 = arith.muli %parallel_loop3A_139, %parallel_loop3A_206 : i32
      %parallel_loop3A_208 = arith.constant 112 : i32
      %parallel_loop3A_209 = arith.addi %parallel_loop3A_207, %parallel_loop3A_208 : i32
      %parallel_loop3A_210 = arith.index_cast %parallel_loop3A_209 : i32 to index
      %parallel_loop3A_211 = tpu.vector_load %arg6[%parallel_loop3A_210] {strides = array<i32>} : memref<25600xi32, #tpu.memory_space<vmem>>, vector<16xi32>,
      tpu.vector_store %arg6[%parallel_loop3A_210], %parallel_loop3A_205 {strides = array<i32>} : memref<25600xi32, #tpu.memory_space<vmem>>, vector<16xi32>,
    } {sc.loop_unroll_factor = 8 : i64, sc.parallel_access}
    %dma_start3A = arith.constant 0 : i32
    %dma_start3A_29 = arith.constant 0 : i32
    %dma_start3A_30 = arith.constant 0 : i32
    %dma_start3A_31 = arith.constant 0 : i32
    %dma_start3A_32 = tpu.memref_slice %arg7[%dma_start3A, %dma_start3A_30, %dma_start3A_31] : memref<2x512x32xf32, #tpu.memory_space<vmem>> -> memref<1x512x32xf32, #tpu.memory_space<vmem>>
    %dma_start3A_33 = tpu.memref_squeeze %dma_start3A_32 : memref<1x512x32xf32, #tpu.memory_space<vmem>> -> memref<512x32xf32, #tpu.memory_space<vmem>>
    %dma_start3A_34 = arith.constant 0 : i32
    %dma_start3A_35 = tpu.memref_slice %arg6[%dma_start3A_34] : memref<25600xi32, #tpu.memory_space<vmem>> -> memref<512xi32, #tpu.memory_space<vmem>>
    %dma_start3A_36 = arith.constant 0 : i32
    %dma_start3A_37 = arith.constant 0 : i32
    %dma_start3A_38 = tpu.memref_slice %arg3[%dma_start3A_36, %dma_start3A_37] : memref<1000000x32xf32, #tpu.memory_space<hbm>> -> memref<1000000x32xf32, #tpu.memory_space<hbm>>
    %dma_start3A_39 = tpu.memref_slice %arg9[%dma_start3A_29] : memref<2x!tpu.dma_semaphore, #tpu.memory_space<semaphore_mem>> -> memref<1x!tpu.dma_semaphore, #tpu.memory_space<semaphore_mem>>
    %dma_start3A_40 = tpu.memref_squeeze %dma_start3A_39 : memref<1x!tpu.dma_semaphore, #tpu.memory_space<semaphore_mem>> -> memref<!tpu.dma_semaphore, #tpu.memory_space<semaphore_mem>>
    tpu.enqueue_indirect_dma source(%dma_start3A_38 : memref<1000000x32xf32, #tpu.memory_space<hbm>>) target(%dma_start3A_33 : memref<512x32xf32, #tpu.memory_space<vmem>>) offsets(%dma_start3A_35 : memref<512xi32, #tpu.memory_space<vmem>>) semaphore(%dma_start3A_40 : memref<!tpu.dma_semaphore, #tpu.memory_space<semaphore_mem>>)
    %dma_start3A_41 = arith.constant 1 : i32
    %dma_start3A_42 = arith.constant 1 : i32
    %dma_start3A_43 = arith.constant 0 : i32
    %dma_start3A_44 = arith.constant 0 : i32
    %dma_start3A_45 = tpu.memref_slice %arg7[%dma_start3A_41, %dma_start3A_43, %dma_start3A_44] : memref<2x512x32xf32, #tpu.memory_space<vmem>> -> memref<1x512x32xf32, #tpu.memory_space<vmem>>
    %dma_start3A_46 = tpu.memref_squeeze %dma_start3A_45 : memref<1x512x32xf32, #tpu.memory_space<vmem>> -> memref<512x32xf32, #tpu.memory_space<vmem>>
    %dma_start3A_47 = arith.constant 512 : i32
    %dma_start3A_48 = tpu.memref_slice %arg6[%dma_start3A_47] : memref<25600xi32, #tpu.memory_space<vmem>> -> memref<512xi32, #tpu.memory_space<vmem>>
    %dma_start3A_49 = arith.constant 0 : i32
    %dma_start3A_50 = arith.constant 0 : i32
    %dma_start3A_51 = tpu.memref_slice %arg3[%dma_start3A_49, %dma_start3A_50] : memref<1000000x32xf32, #tpu.memory_space<hbm>> -> memref<1000000x32xf32, #tpu.memory_space<hbm>>
    %dma_start3A_52 = tpu.memref_slice %arg9[%dma_start3A_42] : memref<2x!tpu.dma_semaphore, #tpu.memory_space<semaphore_mem>> -> memref<1x!tpu.dma_semaphore, #tpu.memory_space<semaphore_mem>>
    %dma_start3A_53 = tpu.memref_squeeze %dma_start3A_52 : memref<1x!tpu.dma_semaphore, #tpu.memory_space<semaphore_mem>> -> memref<!tpu.dma_semaphore, #tpu.memory_space<semaphore_mem>>
    tpu.enqueue_indirect_dma source(%dma_start3A_51 : memref<1000000x32xf32, #tpu.memory_space<hbm>>) target(%dma_start3A_46 : memref<512x32xf32, #tpu.memory_space<vmem>>) offsets(%dma_start3A_48 : memref<512xi32, #tpu.memory_space<vmem>>) semaphore(%dma_start3A_53 : memref<!tpu.dma_semaphore, #tpu.memory_space<semaphore_mem>>)
    %scan3A = arith.constant 0 : i32
    %scan3A_54 = arith.constant 25 : i32
    %scan3A_55 = arith.addi %scan3A, %scan3A_54 : i32
    %scan3A_56 = arith.constant 1 : i32
    scf.for %scan3A_139 = %scan3A to %scan3A_55 step %scan3A_56  : i32 {
      %mul3A_140 = arith.constant 2 : i32
      %mul3A_141 = arith.muli %scan3A_139, %mul3A_140 : i32
      %add3A_142 = arith.constant 0 : i32
      %add3A_143 = arith.addi %add3A_142, %mul3A_141 : i32
      %add3A_144 = arith.constant 0 : i32
      %add3A_145 = arith.addi %add3A_143, %add3A_144 : i32
      %dma_wait3A_146 = arith.constant 0 : i32
      %dma_wait3A_147 = arith.constant 0 : i32
      %dma_wait3A_148 = arith.constant 0 : i32
      %dma_wait3A_149 = arith.constant 0 : i32
      %dma_wait3A_150 = tpu.memref_slice %arg7[%dma_wait3A_146, %dma_wait3A_148, %dma_wait3A_149] : memref<2x512x32xf32, #tpu.memory_space<vmem>> -> memref<1x512x32xf32, #tpu.memory_space<vmem>>
      %dma_wait3A_151 = tpu.memref_squeeze %dma_wait3A_150 : memref<1x512x32xf32, #tpu.memory_space<vmem>> -> memref<512x32xf32, #tpu.memory_space<vmem>>
      %dma_wait3A_152 = arith.constant 0 : i32
      %dma_wait3A_153 = arith.constant 0 : i32
      %dma_wait3A_154 = tpu.memref_slice %arg3[%dma_wait3A_152, %dma_wait3A_153] : memref<1000000x32xf32, #tpu.memory_space<hbm>> -> memref<512x32xf32, #tpu.memory_space<hbm>>
      %dma_wait3A_155 = tpu.memref_slice %arg9[%dma_wait3A_147] : memref<2x!tpu.dma_semaphore, #tpu.memory_space<semaphore_mem>> -> memref<1x!tpu.dma_semaphore, #tpu.memory_space<semaphore_mem>>
      %dma_wait3A_156 = tpu.memref_squeeze %dma_wait3A_155 : memref<1x!tpu.dma_semaphore, #tpu.memory_space<semaphore_mem>> -> memref<!tpu.dma_semaphore, #tpu.memory_space<semaphore_mem>>
      %dma_wait3A_157 = arith.constant 0 : i32
      %dma_wait3A_158 = arith.constant 0 : i32
      %dma_wait3A_159 = tpu.memref_slice %arg7[%dma_wait3A_146, %dma_wait3A_157, %dma_wait3A_158] : memref<2x512x32xf32, #tpu.memory_space<vmem>> -> memref<1x512x32xf32, #tpu.memory_space<vmem>>
      %dma_wait3A_160 = tpu.memref_squeeze %dma_wait3A_159 : memref<1x512x32xf32, #tpu.memory_space<vmem>> -> memref<512x32xf32, #tpu.memory_space<vmem>>
      %dma_wait3A_161 = arith.constant 0 : i32
      %dma_wait3A_162 = arith.constant 0 : i32
      %dma_wait3A_163 = tpu.memref_slice %arg3[%dma_wait3A_161, %dma_wait3A_162] : memref<1000000x32xf32, #tpu.memory_space<hbm>> -> memref<512x32xf32, #tpu.memory_space<hbm>>
      tpu.wait_dma2 semaphore(%dma_wait3A_156 : memref<!tpu.dma_semaphore, #tpu.memory_space<semaphore_mem>>) src(%dma_wait3A_163 : memref<512x32xf32, #tpu.memory_space<hbm>>) dst(%dma_wait3A_160 : memref<512x32xf32, #tpu.memory_space<vmem>>)
      %ge3A = arith.constant 2 : i32
      %ge3A_164 = arith.cmpi sge, %add3A_145, %ge3A : i32
      %convert_element_type3A = arith.extui %ge3A_164 : i1 to i32
      %cond3A = arith.constant 0 : i32
      %cond3A_165 = arith.cmpi ne, %convert_element_type3A, %cond3A : i32
      scf.if %cond3A_165 {
        %dma_wait3A_290 = arith.constant 0 : i32
        %dma_wait3A_291 = arith.constant 0 : i32
        %dma_wait3A_292 = arith.constant 0 : i32
        %dma_wait3A_293 = arith.constant 0 : i32
        %dma_wait3A_294 = arith.constant 0 : i32
        %dma_wait3A_295 = arith.constant 0 : i32
        %dma_wait3A_296 = arith.constant 0 : i32
        %dma_wait3A_297 = tpu.memref_slice %arg8[%dma_wait3A_290, %dma_wait3A_293, %dma_wait3A_294, %dma_wait3A_295, %dma_wait3A_296] : memref<2x4x4x8x128xf32, #tpu.memory_space<vmem>> -> memref<1x4x4x8x128xf32, #tpu.memory_space<vmem>>
        %dma_wait3A_298 = tpu.memref_squeeze %dma_wait3A_297 : memref<1x4x4x8x128xf32, #tpu.memory_space<vmem>> -> memref<4x4x8x128xf32, #tpu.memory_space<vmem>>
        %dma_wait3A_299 = arith.constant 0 : i32
        %dma_wait3A_300 = arith.constant 0 : i32
        %dma_wait3A_301 = arith.constant 0 : i32
        %dma_wait3A_302 = arith.constant 0 : i32
        %dma_wait3A_303 = arith.constant 0 : i32
        %dma_wait3A_304 = tpu.memref_slice %arg4[%dma_wait3A_299, %dma_wait3A_300, %dma_wait3A_301, %dma_wait3A_302, %dma_wait3A_303] : memref<200x4x32x8x128xf32, #tpu.memory_space<hbm>> -> memref<4x4x32x8x128xf32, #tpu.memory_space<hbm>>
        %dma_wait3A_305 = arith.constant 0 : i32
        %dma_wait3A_306 = arith.constant 0 : i32
        %dma_wait3A_307 = arith.constant 0 : i32
        %dma_wait3A_308 = arith.constant 0 : i32
        %dma_wait3A_309 = tpu.memref_slice %dma_wait3A_304[%dma_wait3A_305, %dma_wait3A_306, %dma_wait3A_291, %dma_wait3A_307, %dma_wait3A_308] : memref<4x4x32x8x128xf32, #tpu.memory_space<hbm>> -> memref<4x4x1x8x128xf32, #tpu.memory_space<hbm>>
        %dma_wait3A_310 = tpu.memref_squeeze %dma_wait3A_309 : memref<4x4x1x8x128xf32, #tpu.memory_space<hbm>> -> memref<4x4x8x128xf32, #tpu.memory_space<hbm>>
        %dma_wait3A_311 = tpu.memref_slice %arg10[%dma_wait3A_292] : memref<2x!tpu.dma_semaphore, #tpu.memory_space<semaphore_mem>> -> memref<1x!tpu.dma_semaphore, #tpu.memory_space<semaphore_mem>>
        %dma_wait3A_312 = tpu.memref_squeeze %dma_wait3A_311 : memref<1x!tpu.dma_semaphore, #tpu.memory_space<semaphore_mem>> -> memref<!tpu.dma_semaphore, #tpu.memory_space<semaphore_mem>>
        %dma_wait3A_313 = arith.constant 0 : i32
        %dma_wait3A_314 = arith.constant 0 : i32
        %dma_wait3A_315 = arith.constant 0 : i32
        %dma_wait3A_316 = arith.constant 0 : i32
        %dma_wait3A_317 = arith.constant 0 : i32
        %dma_wait3A_318 = tpu.memref_slice %arg4[%dma_wait3A_313, %dma_wait3A_314, %dma_wait3A_315, %dma_wait3A_316, %dma_wait3A_317] : memref<200x4x32x8x128xf32, #tpu.memory_space<hbm>> -> memref<4x4x32x8x128xf32, #tpu.memory_space<hbm>>
        %dma_wait3A_319 = arith.constant 0 : i32
        %dma_wait3A_320 = arith.constant 0 : i32
        %dma_wait3A_321 = arith.constant 0 : i32
        %dma_wait3A_322 = arith.constant 0 : i32
        %dma_wait3A_323 = tpu.memref_slice %dma_wait3A_318[%dma_wait3A_319, %dma_wait3A_320, %dma_wait3A_291, %dma_wait3A_321, %dma_wait3A_322] : memref<4x4x32x8x128xf32, #tpu.memory_space<hbm>> -> memref<4x4x1x8x128xf32, #tpu.memory_space<hbm>>
        %dma_wait3A_324 = tpu.memref_squeeze %dma_wait3A_323 : memref<4x4x1x8x128xf32, #tpu.memory_space<hbm>> -> memref<4x4x8x128xf32, #tpu.memory_space<hbm>>
        %dma_wait3A_325 = arith.constant 0 : i32
        %dma_wait3A_326 = arith.constant 0 : i32
        %dma_wait3A_327 = arith.constant 0 : i32
        %dma_wait3A_328 = arith.constant 0 : i32
        %dma_wait3A_329 = tpu.memref_slice %arg8[%dma_wait3A_290, %dma_wait3A_325, %dma_wait3A_326, %dma_wait3A_327, %dma_wait3A_328] : memref<2x4x4x8x128xf32, #tpu.memory_space<vmem>> -> memref<1x4x4x8x128xf32, #tpu.memory_space<vmem>>
        %dma_wait3A_330 = tpu.memref_squeeze %dma_wait3A_329 : memref<1x4x4x8x128xf32, #tpu.memory_space<vmem>> -> memref<4x4x8x128xf32, #tpu.memory_space<vmem>>
        tpu.wait_dma2 semaphore(%dma_wait3A_312 : memref<!tpu.dma_semaphore, #tpu.memory_space<semaphore_mem>>) src(%dma_wait3A_330 : memref<4x4x8x128xf32, #tpu.memory_space<vmem>>) dst(%dma_wait3A_324 : memref<4x4x8x128xf32, #tpu.memory_space<hbm>>)
      } else {
      }
      %parallel_loop3A_166 = arith.constant 0 : i32
      %parallel_loop3A_167 = arith.constant 128 : i32
      %parallel_loop3A_168 = arith.constant 1 : i32
      scf.for %parallel_loop3A_290 = %parallel_loop3A_166 to %parallel_loop3A_167 step %parallel_loop3A_168  : i32 {
        %parallel_loop3A_291 = arith.constant 32 : i32
        %parallel_loop3A_292 = arith.divsi %parallel_loop3A_290, %parallel_loop3A_291 : i32
        %parallel_loop3A_293 = arith.constant 0 : i32
        %parallel_loop3A_294 = arith.cmpi sgt, %parallel_loop3A_290, %parallel_loop3A_293 : i32
        %parallel_loop3A_295 = arith.extui %parallel_loop3A_294 : i1 to i32
        %parallel_loop3A_296 = arith.constant 0 : i32
        %parallel_loop3A_297 = arith.cmpi slt, %parallel_loop3A_290, %parallel_loop3A_296 : i32
        %parallel_loop3A_298 = arith.extui %parallel_loop3A_297 : i1 to i32
        %parallel_loop3A_299 = arith.subi %parallel_loop3A_295, %parallel_loop3A_298 : i32
        %parallel_loop3A_300 = arith.constant 0 : i32
        %parallel_loop3A_301 = arith.cmpi sgt, %parallel_loop3A_291, %parallel_loop3A_300 : i32
        %parallel_loop3A_302 = arith.extui %parallel_loop3A_301 : i1 to i32
        %parallel_loop3A_303 = arith.constant 0 : i32
        %parallel_loop3A_304 = arith.cmpi slt, %parallel_loop3A_291, %parallel_loop3A_303 : i32
        %parallel_loop3A_305 = arith.extui %parallel_loop3A_304 : i1 to i32
        %parallel_loop3A_306 = arith.subi %parallel_loop3A_302, %parallel_loop3A_305 : i32
        %parallel_loop3A_307 = arith.cmpi ne, %parallel_loop3A_299, %parallel_loop3A_306 : i32
        %parallel_loop3A_308 = arith.remsi %parallel_loop3A_290, %parallel_loop3A_291 : i32
        %parallel_loop3A_309 = arith.constant 0 : i32
        %parallel_loop3A_310 = arith.cmpi ne, %parallel_loop3A_308, %parallel_loop3A_309 : i32
        %parallel_loop3A_311 = arith.andi %parallel_loop3A_307, %parallel_loop3A_310 : i1
        %parallel_loop3A_312 = arith.constant 1 : i32
        %parallel_loop3A_313 = arith.subi %parallel_loop3A_292, %parallel_loop3A_312 : i32
        %parallel_loop3A_314 = arith.select %parallel_loop3A_311, %parallel_loop3A_313, %parallel_loop3A_292 : i32
        %parallel_loop3A_315 = arith.constant 32 : i32
        %parallel_loop3A_316 = arith.remsi %parallel_loop3A_290, %parallel_loop3A_315 : i32
        %parallel_loop3A_317 = arith.constant 0 : i32
        %parallel_loop3A_318 = vector.broadcast %parallel_loop3A_317 : i32 to vector<16xi32>
        %parallel_loop3A_319 = vector.broadcast %parallel_loop3A_316 : i32 to vector<16xi32>
        %parallel_loop3A_320 = arith.addi %parallel_loop3A_318, %parallel_loop3A_319 : vector<16xi32>
        %parallel_loop3A_321 = arith.constant 8 : i32
        %parallel_loop3A_322 = arith.divsi %parallel_loop3A_316, %parallel_loop3A_321 : i32
        %parallel_loop3A_323 = arith.constant 0 : i32
        %parallel_loop3A_324 = arith.cmpi sgt, %parallel_loop3A_316, %parallel_loop3A_323 : i32
        %parallel_loop3A_325 = arith.extui %parallel_loop3A_324 : i1 to i32
        %parallel_loop3A_326 = arith.constant 0 : i32
        %parallel_loop3A_327 = arith.cmpi slt, %parallel_loop3A_316, %parallel_loop3A_326 : i32
        %parallel_loop3A_328 = arith.extui %parallel_loop3A_327 : i1 to i32
        %parallel_loop3A_329 = arith.subi %parallel_loop3A_325, %parallel_loop3A_328 : i32
        %parallel_loop3A_330 = arith.constant 0 : i32
        %parallel_loop3A_331 = arith.cmpi sgt, %parallel_loop3A_321, %parallel_loop3A_330 : i32
        %parallel_loop3A_332 = arith.extui %parallel_loop3A_331 : i1 to i32
        %parallel_loop3A_333 = arith.constant 0 : i32
        %parallel_loop3A_334 = arith.cmpi slt, %parallel_loop3A_321, %parallel_loop3A_333 : i32
        %parallel_loop3A_335 = arith.extui %parallel_loop3A_334 : i1 to i32
        %parallel_loop3A_336 = arith.subi %parallel_loop3A_332, %parallel_loop3A_335 : i32
        %parallel_loop3A_337 = arith.cmpi ne, %parallel_loop3A_329, %parallel_loop3A_336 : i32
        %parallel_loop3A_338 = arith.remsi %parallel_loop3A_316, %parallel_loop3A_321 : i32
        %parallel_loop3A_339 = arith.constant 0 : i32
        %parallel_loop3A_340 = arith.cmpi ne, %parallel_loop3A_338, %parallel_loop3A_339 : i32
        %parallel_loop3A_341 = arith.andi %parallel_loop3A_337, %parallel_loop3A_340 : i1
        %parallel_loop3A_342 = arith.constant 1 : i32
        %parallel_loop3A_343 = arith.subi %parallel_loop3A_322, %parallel_loop3A_342 : i32
        %parallel_loop3A_344 = arith.select %parallel_loop3A_341, %parallel_loop3A_343, %parallel_loop3A_322 : i32
        %parallel_loop3A_345 = arith.constant 8 : i32
        %parallel_loop3A_346 = arith.remsi %parallel_loop3A_316, %parallel_loop3A_345 : i32
        %parallel_loop3A_347 = arith.constant 128 : i32
        %parallel_loop3A_348 = arith.muli %parallel_loop3A_314, %parallel_loop3A_347 : i32
        %parallel_loop3A_349 = vector.broadcast %parallel_loop3A_348 : i32 to vector<16xi32>
        %parallel_loop3A_350 = arith.addi %add3A_5, %parallel_loop3A_349 : vector<16xi32>
        %parallel_loop3A_351 = arith.constant 0 : i32
        %parallel_loop3A_352 = arith.constant 0 : i32
        %parallel_loop3A_353 = arith.constant 0 : i32
        %parallel_loop3A_354 = tpu.memref_slice %arg7[%parallel_loop3A_351, %parallel_loop3A_352, %parallel_loop3A_353] : memref<2x512x32xf32, #tpu.memory_space<vmem>> -> memref<1x512x32xf32, #tpu.memory_space<vmem>>
        %parallel_loop3A_355 = tpu.memref_squeeze %parallel_loop3A_354 : memref<1x512x32xf32, #tpu.memory_space<vmem>> -> memref<512x32xf32, #tpu.memory_space<vmem>>
        %parallel_loop3A_356 = tpu.vector_load_idx %parallel_loop3A_355[%parallel_loop3A_350, %parallel_loop3A_320] : memref<512x32xf32, #tpu.memory_space<vmem>>[vector<16xi32>, vector<16xi32>], vector<16xf32>,
        %parallel_loop3A_357 = arith.constant 0 : i32
        %parallel_loop3A_358 = arith.index_cast %parallel_loop3A_357 : i32 to index
        %parallel_loop3A_359 = arith.index_cast %parallel_loop3A_314 : i32 to index
        %parallel_loop3A_360 = arith.index_cast %parallel_loop3A_344 : i32 to index
        %parallel_loop3A_361 = arith.index_cast %parallel_loop3A_346 : i32 to index
        %parallel_loop3A_362 = arith.constant 0 : index
        %parallel_loop3A_363 = tpu.vector_load %arg8[%parallel_loop3A_358, %parallel_loop3A_359, %parallel_loop3A_360, %parallel_loop3A_361, %parallel_loop3A_362] {strides = array<i32>} : memref<2x4x4x8x128xf32, #tpu.memory_space<vmem>>, vector<16xf32>,
        tpu.vector_store %arg8[%parallel_loop3A_358, %parallel_loop3A_359, %parallel_loop3A_360, %parallel_loop3A_361, %parallel_loop3A_362], %parallel_loop3A_356 {strides = array<i32>} : memref<2x4x4x8x128xf32, #tpu.memory_space<vmem>>, vector<16xf32>,
        %parallel_loop3A_364 = vector.broadcast %parallel_loop3A_348 : i32 to vector<16xi32>
        %parallel_loop3A_365 = arith.addi %add3A_8, %parallel_loop3A_364 : vector<16xi32>
        %parallel_loop3A_366 = arith.constant 0 : i32
        %parallel_loop3A_367 = arith.constant 0 : i32
        %parallel_loop3A_368 = arith.constant 0 : i32
        %parallel_loop3A_369 = tpu.memref_slice %arg7[%parallel_loop3A_366, %parallel_loop3A_367, %parallel_loop3A_368] : memref<2x512x32xf32, #tpu.memory_space<vmem>> -> memref<1x512x32xf32, #tpu.memory_space<vmem>>
        %parallel_loop3A_370 = tpu.memref_squeeze %parallel_loop3A_369 : memref<1x512x32xf32, #tpu.memory_space<vmem>> -> memref<512x32xf32, #tpu.memory_space<vmem>>
        %parallel_loop3A_371 = tpu.vector_load_idx %parallel_loop3A_370[%parallel_loop3A_365, %parallel_loop3A_320] : memref<512x32xf32, #tpu.memory_space<vmem>>[vector<16xi32>, vector<16xi32>], vector<16xf32>,
        %parallel_loop3A_372 = arith.constant 0 : i32
        %parallel_loop3A_373 = arith.index_cast %parallel_loop3A_372 : i32 to index
        %parallel_loop3A_374 = arith.index_cast %parallel_loop3A_314 : i32 to index
        %parallel_loop3A_375 = arith.index_cast %parallel_loop3A_344 : i32 to index
        %parallel_loop3A_376 = arith.index_cast %parallel_loop3A_346 : i32 to index
        %parallel_loop3A_377 = arith.constant 16 : index
        %parallel_loop3A_378 = tpu.vector_load %arg8[%parallel_loop3A_373, %parallel_loop3A_374, %parallel_loop3A_375, %parallel_loop3A_376, %parallel_loop3A_377] {strides = array<i32>} : memref<2x4x4x8x128xf32, #tpu.memory_space<vmem>>, vector<16xf32>,
        tpu.vector_store %arg8[%parallel_loop3A_373, %parallel_loop3A_374, %parallel_loop3A_375, %parallel_loop3A_376, %parallel_loop3A_377], %parallel_loop3A_371 {strides = array<i32>} : memref<2x4x4x8x128xf32, #tpu.memory_space<vmem>>, vector<16xf32>,
        %parallel_loop3A_379 = vector.broadcast %parallel_loop3A_348 : i32 to vector<16xi32>
        %parallel_loop3A_380 = arith.addi %add3A_11, %parallel_loop3A_379 : vector<16xi32>
        %parallel_loop3A_381 = arith.constant 0 : i32
        %parallel_loop3A_382 = arith.constant 0 : i32
        %parallel_loop3A_383 = arith.constant 0 : i32
        %parallel_loop3A_384 = tpu.memref_slice %arg7[%parallel_loop3A_381, %parallel_loop3A_382, %parallel_loop3A_383] : memref<2x512x32xf32, #tpu.memory_space<vmem>> -> memref<1x512x32xf32, #tpu.memory_space<vmem>>
        %parallel_loop3A_385 = tpu.memref_squeeze %parallel_loop3A_384 : memref<1x512x32xf32, #tpu.memory_space<vmem>> -> memref<512x32xf32, #tpu.memory_space<vmem>>
        %parallel_loop3A_386 = tpu.vector_load_idx %parallel_loop3A_385[%parallel_loop3A_380, %parallel_loop3A_320] : memref<512x32xf32, #tpu.memory_space<vmem>>[vector<16xi32>, vector<16xi32>], vector<16xf32>,
        %parallel_loop3A_387 = arith.constant 0 : i32
        %parallel_loop3A_388 = arith.index_cast %parallel_loop3A_387 : i32 to index
        %parallel_loop3A_389 = arith.index_cast %parallel_loop3A_314 : i32 to index
        %parallel_loop3A_390 = arith.index_cast %parallel_loop3A_344 : i32 to index
        %parallel_loop3A_391 = arith.index_cast %parallel_loop3A_346 : i32 to index
        %parallel_loop3A_392 = arith.constant 32 : index
        %parallel_loop3A_393 = tpu.vector_load %arg8[%parallel_loop3A_388, %parallel_loop3A_389, %parallel_loop3A_390, %parallel_loop3A_391, %parallel_loop3A_392] {strides = array<i32>} : memref<2x4x4x8x128xf32, #tpu.memory_space<vmem>>, vector<16xf32>,
        tpu.vector_store %arg8[%parallel_loop3A_388, %parallel_loop3A_389, %parallel_loop3A_390, %parallel_loop3A_391, %parallel_loop3A_392], %parallel_loop3A_386 {strides = array<i32>} : memref<2x4x4x8x128xf32, #tpu.memory_space<vmem>>, vector<16xf32>,
        %parallel_loop3A_394 = vector.broadcast %parallel_loop3A_348 : i32 to vector<16xi32>
        %parallel_loop3A_395 = arith.addi %add3A_14, %parallel_loop3A_394 : vector<16xi32>
        %parallel_loop3A_396 = arith.constant 0 : i32
        %parallel_loop3A_397 = arith.constant 0 : i32
        %parallel_loop3A_398 = arith.constant 0 : i32
        %parallel_loop3A_399 = tpu.memref_slice %arg7[%parallel_loop3A_396, %parallel_loop3A_397, %parallel_loop3A_398] : memref<2x512x32xf32, #tpu.memory_space<vmem>> -> memref<1x512x32xf32, #tpu.memory_space<vmem>>
        %parallel_loop3A_400 = tpu.memref_squeeze %parallel_loop3A_399 : memref<1x512x32xf32, #tpu.memory_space<vmem>> -> memref<512x32xf32, #tpu.memory_space<vmem>>
        %parallel_loop3A_401 = tpu.vector_load_idx %parallel_loop3A_400[%parallel_loop3A_395, %parallel_loop3A_320] : memref<512x32xf32, #tpu.memory_space<vmem>>[vector<16xi32>, vector<16xi32>], vector<16xf32>,
        %parallel_loop3A_402 = arith.constant 0 : i32
        %parallel_loop3A_403 = arith.index_cast %parallel_loop3A_402 : i32 to index
        %parallel_loop3A_404 = arith.index_cast %parallel_loop3A_314 : i32 to index
        %parallel_loop3A_405 = arith.index_cast %parallel_loop3A_344 : i32 to index
        %parallel_loop3A_406 = arith.index_cast %parallel_loop3A_346 : i32 to index
        %parallel_loop3A_407 = arith.constant 48 : index
        %parallel_loop3A_408 = tpu.vector_load %arg8[%parallel_loop3A_403, %parallel_loop3A_404, %parallel_loop3A_405, %parallel_loop3A_406, %parallel_loop3A_407] {strides = array<i32>} : memref<2x4x4x8x128xf32, #tpu.memory_space<vmem>>, vector<16xf32>,
        tpu.vector_store %arg8[%parallel_loop3A_403, %parallel_loop3A_404, %parallel_loop3A_405, %parallel_loop3A_406, %parallel_loop3A_407], %parallel_loop3A_401 {strides = array<i32>} : memref<2x4x4x8x128xf32, #tpu.memory_space<vmem>>, vector<16xf32>,
        %parallel_loop3A_409 = vector.broadcast %parallel_loop3A_348 : i32 to vector<16xi32>
        %parallel_loop3A_410 = arith.addi %add3A_17, %parallel_loop3A_409 : vector<16xi32>
        %parallel_loop3A_411 = arith.constant 0 : i32
        %parallel_loop3A_412 = arith.constant 0 : i32
        %parallel_loop3A_413 = arith.constant 0 : i32
        %parallel_loop3A_414 = tpu.memref_slice %arg7[%parallel_loop3A_411, %parallel_loop3A_412, %parallel_loop3A_413] : memref<2x512x32xf32, #tpu.memory_space<vmem>> -> memref<1x512x32xf32, #tpu.memory_space<vmem>>
        %parallel_loop3A_415 = tpu.memref_squeeze %parallel_loop3A_414 : memref<1x512x32xf32, #tpu.memory_space<vmem>> -> memref<512x32xf32, #tpu.memory_space<vmem>>
        %parallel_loop3A_416 = tpu.vector_load_idx %parallel_loop3A_415[%parallel_loop3A_410, %parallel_loop3A_320] : memref<512x32xf32, #tpu.memory_space<vmem>>[vector<16xi32>, vector<16xi32>], vector<16xf32>,
        %parallel_loop3A_417 = arith.constant 0 : i32
        %parallel_loop3A_418 = arith.index_cast %parallel_loop3A_417 : i32 to index
        %parallel_loop3A_419 = arith.index_cast %parallel_loop3A_314 : i32 to index
        %parallel_loop3A_420 = arith.index_cast %parallel_loop3A_344 : i32 to index
        %parallel_loop3A_421 = arith.index_cast %parallel_loop3A_346 : i32 to index
        %parallel_loop3A_422 = arith.constant 64 : index
        %parallel_loop3A_423 = tpu.vector_load %arg8[%parallel_loop3A_418, %parallel_loop3A_419, %parallel_loop3A_420, %parallel_loop3A_421, %parallel_loop3A_422] {strides = array<i32>} : memref<2x4x4x8x128xf32, #tpu.memory_space<vmem>>, vector<16xf32>,
        tpu.vector_store %arg8[%parallel_loop3A_418, %parallel_loop3A_419, %parallel_loop3A_420, %parallel_loop3A_421, %parallel_loop3A_422], %parallel_loop3A_416 {strides = array<i32>} : memref<2x4x4x8x128xf32, #tpu.memory_space<vmem>>, vector<16xf32>,
        %parallel_loop3A_424 = vector.broadcast %parallel_loop3A_348 : i32 to vector<16xi32>
        %parallel_loop3A_425 = arith.addi %add3A_20, %parallel_loop3A_424 : vector<16xi32>
        %parallel_loop3A_426 = arith.constant 0 : i32
        %parallel_loop3A_427 = arith.constant 0 : i32
        %parallel_loop3A_428 = arith.constant 0 : i32
        %parallel_loop3A_429 = tpu.memref_slice %arg7[%parallel_loop3A_426, %parallel_loop3A_427, %parallel_loop3A_428] : memref<2x512x32xf32, #tpu.memory_space<vmem>> -> memref<1x512x32xf32, #tpu.memory_space<vmem>>
        %parallel_loop3A_430 = tpu.memref_squeeze %parallel_loop3A_429 : memref<1x512x32xf32, #tpu.memory_space<vmem>> -> memref<512x32xf32, #tpu.memory_space<vmem>>
        %parallel_loop3A_431 = tpu.vector_load_idx %parallel_loop3A_430[%parallel_loop3A_425, %parallel_loop3A_320] : memref<512x32xf32, #tpu.memory_space<vmem>>[vector<16xi32>, vector<16xi32>], vector<16xf32>,
        %parallel_loop3A_432 = arith.constant 0 : i32
        %parallel_loop3A_433 = arith.index_cast %parallel_loop3A_432 : i32 to index
        %parallel_loop3A_434 = arith.index_cast %parallel_loop3A_314 : i32 to index
        %parallel_loop3A_435 = arith.index_cast %parallel_loop3A_344 : i32 to index
        %parallel_loop3A_436 = arith.index_cast %parallel_loop3A_346 : i32 to index
        %parallel_loop3A_437 = arith.constant 80 : index
        %parallel_loop3A_438 = tpu.vector_load %arg8[%parallel_loop3A_433, %parallel_loop3A_434, %parallel_loop3A_435, %parallel_loop3A_436, %parallel_loop3A_437] {strides = array<i32>} : memref<2x4x4x8x128xf32, #tpu.memory_space<vmem>>, vector<16xf32>,
        tpu.vector_store %arg8[%parallel_loop3A_433, %parallel_loop3A_434, %parallel_loop3A_435, %parallel_loop3A_436, %parallel_loop3A_437], %parallel_loop3A_431 {strides = array<i32>} : memref<2x4x4x8x128xf32, #tpu.memory_space<vmem>>, vector<16xf32>,
        %parallel_loop3A_439 = vector.broadcast %parallel_loop3A_348 : i32 to vector<16xi32>
        %parallel_loop3A_440 = arith.addi %add3A_23, %parallel_loop3A_439 : vector<16xi32>
        %parallel_loop3A_441 = arith.constant 0 : i32
        %parallel_loop3A_442 = arith.constant 0 : i32
        %parallel_loop3A_443 = arith.constant 0 : i32
        %parallel_loop3A_444 = tpu.memref_slice %arg7[%parallel_loop3A_441, %parallel_loop3A_442, %parallel_loop3A_443] : memref<2x512x32xf32, #tpu.memory_space<vmem>> -> memref<1x512x32xf32, #tpu.memory_space<vmem>>
        %parallel_loop3A_445 = tpu.memref_squeeze %parallel_loop3A_444 : memref<1x512x32xf32, #tpu.memory_space<vmem>> -> memref<512x32xf32, #tpu.memory_space<vmem>>
        %parallel_loop3A_446 = tpu.vector_load_idx %parallel_loop3A_445[%parallel_loop3A_440, %parallel_loop3A_320] : memref<512x32xf32, #tpu.memory_space<vmem>>[vector<16xi32>, vector<16xi32>], vector<16xf32>,
        %parallel_loop3A_447 = arith.constant 0 : i32
        %parallel_loop3A_448 = arith.index_cast %parallel_loop3A_447 : i32 to index
        %parallel_loop3A_449 = arith.index_cast %parallel_loop3A_314 : i32 to index
        %parallel_loop3A_450 = arith.index_cast %parallel_loop3A_344 : i32 to index
        %parallel_loop3A_451 = arith.index_cast %parallel_loop3A_346 : i32 to index
        %parallel_loop3A_452 = arith.constant 96 : index
        %parallel_loop3A_453 = tpu.vector_load %arg8[%parallel_loop3A_448, %parallel_loop3A_449, %parallel_loop3A_450, %parallel_loop3A_451, %parallel_loop3A_452] {strides = array<i32>} : memref<2x4x4x8x128xf32, #tpu.memory_space<vmem>>, vector<16xf32>,
        tpu.vector_store %arg8[%parallel_loop3A_448, %parallel_loop3A_449, %parallel_loop3A_450, %parallel_loop3A_451, %parallel_loop3A_452], %parallel_loop3A_446 {strides = array<i32>} : memref<2x4x4x8x128xf32, #tpu.memory_space<vmem>>, vector<16xf32>,
        %parallel_loop3A_454 = vector.broadcast %parallel_loop3A_348 : i32 to vector<16xi32>
        %parallel_loop3A_455 = arith.addi %add3A_26, %parallel_loop3A_454 : vector<16xi32>
        %parallel_loop3A_456 = arith.constant 0 : i32
        %parallel_loop3A_457 = arith.constant 0 : i32
        %parallel_loop3A_458 = arith.constant 0 : i32
        %parallel_loop3A_459 = tpu.memref_slice %arg7[%parallel_loop3A_456, %parallel_loop3A_457, %parallel_loop3A_458] : memref<2x512x32xf32, #tpu.memory_space<vmem>> -> memref<1x512x32xf32, #tpu.memory_space<vmem>>
        %parallel_loop3A_460 = tpu.memref_squeeze %parallel_loop3A_459 : memref<1x512x32xf32, #tpu.memory_space<vmem>> -> memref<512x32xf32, #tpu.memory_space<vmem>>
        %parallel_loop3A_461 = tpu.vector_load_idx %parallel_loop3A_460[%parallel_loop3A_455, %parallel_loop3A_320] : memref<512x32xf32, #tpu.memory_space<vmem>>[vector<16xi32>, vector<16xi32>], vector<16xf32>,
        %parallel_loop3A_462 = arith.constant 0 : i32
        %parallel_loop3A_463 = arith.index_cast %parallel_loop3A_462 : i32 to index
        %parallel_loop3A_464 = arith.index_cast %parallel_loop3A_314 : i32 to index
        %parallel_loop3A_465 = arith.index_cast %parallel_loop3A_344 : i32 to index
        %parallel_loop3A_466 = arith.index_cast %parallel_loop3A_346 : i32 to index
        %parallel_loop3A_467 = arith.constant 112 : index
        %parallel_loop3A_468 = tpu.vector_load %arg8[%parallel_loop3A_463, %parallel_loop3A_464, %parallel_loop3A_465, %parallel_loop3A_466, %parallel_loop3A_467] {strides = array<i32>} : memref<2x4x4x8x128xf32, #tpu.memory_space<vmem>>, vector<16xf32>,
        tpu.vector_store %arg8[%parallel_loop3A_463, %parallel_loop3A_464, %parallel_loop3A_465, %parallel_loop3A_466, %parallel_loop3A_467], %parallel_loop3A_461 {strides = array<i32>} : memref<2x4x4x8x128xf32, #tpu.memory_space<vmem>>, vector<16xf32>,
      } {sc.loop_unroll_factor = 8 : i64, sc.parallel_access}
      %mul3A_169 = arith.constant 4 : i32
      %mul3A_170 = arith.muli %add3A_145, %mul3A_169 : i32
      %dma_start3A_171 = arith.constant 0 : i32
      %dma_start3A_172 = arith.constant 0 : i32
      %dma_start3A_173 = arith.constant 0 : i32
      %dma_start3A_174 = arith.constant 0 : i32
      %dma_start3A_175 = arith.constant 0 : i32
      %dma_start3A_176 = arith.constant 0 : i32
      %dma_start3A_177 = tpu.memref_slice %arg8[%dma_start3A_171, %dma_start3A_173, %dma_start3A_174, %dma_start3A_175, %dma_start3A_176] : memref<2x4x4x8x128xf32, #tpu.memory_space<vmem>> -> memref<1x4x4x8x128xf32, #tpu.memory_space<vmem>>
      %dma_start3A_178 = tpu.memref_squeeze %dma_start3A_177 : memref<1x4x4x8x128xf32, #tpu.memory_space<vmem>> -> memref<4x4x8x128xf32, #tpu.memory_space<vmem>>
      %dma_start3A_179 = arith.constant 0 : i32
      %dma_start3A_180 = arith.constant 0 : i32
      %dma_start3A_181 = arith.constant 0 : i32
      %dma_start3A_182 = arith.constant 0 : i32
      %dma_start3A_183 = tpu.memref_slice %arg4[%mul3A_170, %dma_start3A_179, %dma_start3A_180, %dma_start3A_181, %dma_start3A_182] : memref<200x4x32x8x128xf32, #tpu.memory_space<hbm>> -> memref<4x4x32x8x128xf32, #tpu.memory_space<hbm>>
      %dma_start3A_184 = arith.constant 0 : i32
      %dma_start3A_185 = arith.constant 0 : i32
      %dma_start3A_186 = arith.constant 0 : i32
      %dma_start3A_187 = arith.constant 0 : i32
      %dma_start3A_188 = tpu.memref_slice %dma_start3A_183[%dma_start3A_184, %dma_start3A_185, %add3A, %dma_start3A_186, %dma_start3A_187] : memref<4x4x32x8x128xf32, #tpu.memory_space<hbm>> -> memref<4x4x1x8x128xf32, #tpu.memory_space<hbm>>
      %dma_start3A_189 = tpu.memref_squeeze %dma_start3A_188 : memref<4x4x1x8x128xf32, #tpu.memory_space<hbm>> -> memref<4x4x8x128xf32, #tpu.memory_space<hbm>>
      %dma_start3A_190 = tpu.memref_slice %arg10[%dma_start3A_172] : memref<2x!tpu.dma_semaphore, #tpu.memory_space<semaphore_mem>> -> memref<1x!tpu.dma_semaphore, #tpu.memory_space<semaphore_mem>>
      %dma_start3A_191 = tpu.memref_squeeze %dma_start3A_190 : memref<1x!tpu.dma_semaphore, #tpu.memory_space<semaphore_mem>> -> memref<!tpu.dma_semaphore, #tpu.memory_space<semaphore_mem>>
      %dma_start3A_192 = arith.constant 0 : i32
      %dma_start3A_193 = arith.constant 0 : i32
      %dma_start3A_194 = arith.constant 0 : i32
      %dma_start3A_195 = arith.constant 0 : i32
      %dma_start3A_196 = tpu.memref_slice %arg4[%mul3A_170, %dma_start3A_192, %dma_start3A_193, %dma_start3A_194, %dma_start3A_195] : memref<200x4x32x8x128xf32, #tpu.memory_space<hbm>> -> memref<4x4x32x8x128xf32, #tpu.memory_space<hbm>>
      %dma_start3A_197 = arith.constant 0 : i32
      %dma_start3A_198 = arith.constant 0 : i32
      %dma_start3A_199 = arith.constant 0 : i32
      %dma_start3A_200 = arith.constant 0 : i32
      %dma_start3A_201 = tpu.memref_slice %dma_start3A_196[%dma_start3A_197, %dma_start3A_198, %add3A, %dma_start3A_199, %dma_start3A_200] : memref<4x4x32x8x128xf32, #tpu.memory_space<hbm>> -> memref<4x4x1x8x128xf32, #tpu.memory_space<hbm>>
      %dma_start3A_202 = tpu.memref_squeeze %dma_start3A_201 : memref<4x4x1x8x128xf32, #tpu.memory_space<hbm>> -> memref<4x4x8x128xf32, #tpu.memory_space<hbm>>
      %dma_start3A_203 = arith.constant 0 : i32
      %dma_start3A_204 = arith.constant 0 : i32
      %dma_start3A_205 = arith.constant 0 : i32
      %dma_start3A_206 = arith.constant 0 : i32
      %dma_start3A_207 = tpu.memref_slice %arg8[%dma_start3A_171, %dma_start3A_203, %dma_start3A_204, %dma_start3A_205, %dma_start3A_206] : memref<2x4x4x8x128xf32, #tpu.memory_space<vmem>> -> memref<1x4x4x8x128xf32, #tpu.memory_space<vmem>>
      %dma_start3A_208 = tpu.memref_squeeze %dma_start3A_207 : memref<1x4x4x8x128xf32, #tpu.memory_space<vmem>> -> memref<4x4x8x128xf32, #tpu.memory_space<vmem>>
      tpu.enqueue_dma source(%dma_start3A_208 : memref<4x4x8x128xf32, #tpu.memory_space<vmem>>) target(%dma_start3A_202 : memref<4x4x8x128xf32, #tpu.memory_space<hbm>>) target_semaphore(%dma_start3A_191 : memref<!tpu.dma_semaphore, #tpu.memory_space<semaphore_mem>>)
      %add3A_209 = arith.constant 2 : i32
      %add3A_210 = arith.addi %add3A_145, %add3A_209 : i32
      %lt3A = arith.constant 50 : i32
      %lt3A_211 = arith.cmpi slt, %add3A_210, %lt3A : i32
      %convert_element_type3A_212 = arith.extui %lt3A_211 : i1 to i32
      %cond3A_213 = arith.constant 0 : i32
      %cond3A_214 = arith.cmpi ne, %convert_element_type3A_212, %cond3A_213 : i32
      scf.if %cond3A_214 {
        %add3A_290 = arith.constant 2 : i32
        %add3A_291 = arith.addi %add3A_145, %add3A_290 : i32
        %mul3A_292 = arith.constant 4 : i32
        %mul3A_293 = arith.muli %add3A_291, %mul3A_292 : i32
        %mul3A_294 = arith.constant 128 : i32
        %mul3A_295 = arith.muli %mul3A_293, %mul3A_294 : i32
        %dma_start3A_296 = arith.constant 0 : i32
        %dma_start3A_297 = arith.constant 0 : i32
        %dma_start3A_298 = arith.constant 0 : i32
        %dma_start3A_299 = arith.constant 0 : i32
        %dma_start3A_300 = tpu.memref_slice %arg7[%dma_start3A_296, %dma_start3A_298, %dma_start3A_299] : memref<2x512x32xf32, #tpu.memory_space<vmem>> -> memref<1x512x32xf32, #tpu.memory_space<vmem>>
        %dma_start3A_301 = tpu.memref_squeeze %dma_start3A_300 : memref<1x512x32xf32, #tpu.memory_space<vmem>> -> memref<512x32xf32, #tpu.memory_space<vmem>>
        %dma_start3A_302 = tpu.memref_slice %arg6[%mul3A_295] : memref<25600xi32, #tpu.memory_space<vmem>> -> memref<512xi32, #tpu.memory_space<vmem>>
        %dma_start3A_303 = arith.constant 0 : i32
        %dma_start3A_304 = arith.constant 0 : i32
        %dma_start3A_305 = tpu.memref_slice %arg3[%dma_start3A_303, %dma_start3A_304] : memref<1000000x32xf32, #tpu.memory_space<hbm>> -> memref<1000000x32xf32, #tpu.memory_space<hbm>>
        %dma_start3A_306 = tpu.memref_slice %arg9[%dma_start3A_297] : memref<2x!tpu.dma_semaphore, #tpu.memory_space<semaphore_mem>> -> memref<1x!tpu.dma_semaphore, #tpu.memory_space<semaphore_mem>>
        %dma_start3A_307 = tpu.memref_squeeze %dma_start3A_306 : memref<1x!tpu.dma_semaphore, #tpu.memory_space<semaphore_mem>> -> memref<!tpu.dma_semaphore, #tpu.memory_space<semaphore_mem>>
        tpu.enqueue_indirect_dma source(%dma_start3A_305 : memref<1000000x32xf32, #tpu.memory_space<hbm>>) target(%dma_start3A_301 : memref<512x32xf32, #tpu.memory_space<vmem>>) offsets(%dma_start3A_302 : memref<512xi32, #tpu.memory_space<vmem>>) semaphore(%dma_start3A_307 : memref<!tpu.dma_semaphore, #tpu.memory_space<semaphore_mem>>)
      } else {
      }
      %add3A_215 = arith.constant 1 : i32
      %add3A_216 = arith.addi %add3A_143, %add3A_215 : i32
      %dma_wait3A_217 = arith.constant 1 : i32
      %dma_wait3A_218 = arith.constant 1 : i32
      %dma_wait3A_219 = arith.constant 0 : i32
      %dma_wait3A_220 = arith.constant 0 : i32
      %dma_wait3A_221 = tpu.memref_slice %arg7[%dma_wait3A_217, %dma_wait3A_219, %dma_wait3A_220] : memref<2x512x32xf32, #tpu.memory_space<vmem>> -> memref<1x512x32xf32, #tpu.memory_space<vmem>>
      %dma_wait3A_222 = tpu.memref_squeeze %dma_wait3A_221 : memref<1x512x32xf32, #tpu.memory_space<vmem>> -> memref<512x32xf32, #tpu.memory_space<vmem>>
      %dma_wait3A_223 = arith.constant 0 : i32
      %dma_wait3A_224 = arith.constant 0 : i32
      %dma_wait3A_225 = tpu.memref_slice %arg3[%dma_wait3A_223, %dma_wait3A_224] : memref<1000000x32xf32, #tpu.memory_space<hbm>> -> memref<512x32xf32, #tpu.memory_space<hbm>>
      %dma_wait3A_226 = tpu.memref_slice %arg9[%dma_wait3A_218] : memref<2x!tpu.dma_semaphore, #tpu.memory_space<semaphore_mem>> -> memref<1x!tpu.dma_semaphore, #tpu.memory_space<semaphore_mem>>
      %dma_wait3A_227 = tpu.memref_squeeze %dma_wait3A_226 : memref<1x!tpu.dma_semaphore, #tpu.memory_space<semaphore_mem>> -> memref<!tpu.dma_semaphore, #tpu.memory_space<semaphore_mem>>
      %dma_wait3A_228 = arith.constant 0 : i32
      %dma_wait3A_229 = arith.constant 0 : i32
      %dma_wait3A_230 = tpu.memref_slice %arg7[%dma_wait3A_217, %dma_wait3A_228, %dma_wait3A_229] : memref<2x512x32xf32, #tpu.memory_space<vmem>> -> memref<1x512x32xf32, #tpu.memory_space<vmem>>
      %dma_wait3A_231 = tpu.memref_squeeze %dma_wait3A_230 : memref<1x512x32xf32, #tpu.memory_space<vmem>> -> memref<512x32xf32, #tpu.memory_space<vmem>>
      %dma_wait3A_232 = arith.constant 0 : i32
      %dma_wait3A_233 = arith.constant 0 : i32
      %dma_wait3A_234 = tpu.memref_slice %arg3[%dma_wait3A_232, %dma_wait3A_233] : memref<1000000x32xf32, #tpu.memory_space<hbm>> -> memref<512x32xf32, #tpu.memory_space<hbm>>
      tpu.wait_dma2 semaphore(%dma_wait3A_227 : memref<!tpu.dma_semaphore, #tpu.memory_space<semaphore_mem>>) src(%dma_wait3A_234 : memref<512x32xf32, #tpu.memory_space<hbm>>) dst(%dma_wait3A_231 : memref<512x32xf32, #tpu.memory_space<vmem>>)
      %ge3A_235 = arith.constant 2 : i32
      %ge3A_236 = arith.cmpi sge, %add3A_216, %ge3A_235 : i32
      %convert_element_type3A_237 = arith.extui %ge3A_236 : i1 to i32
      %cond3A_238 = arith.constant 0 : i32
      %cond3A_239 = arith.cmpi ne, %convert_element_type3A_237, %cond3A_238 : i32
      scf.if %cond3A_239 {
        %dma_wait3A_290 = arith.constant 1 : i32
        %dma_wait3A_291 = arith.constant 0 : i32
        %dma_wait3A_292 = arith.constant 1 : i32
        %dma_wait3A_293 = arith.constant 0 : i32
        %dma_wait3A_294 = arith.constant 0 : i32
        %dma_wait3A_295 = arith.constant 0 : i32
        %dma_wait3A_296 = arith.constant 0 : i32
        %dma_wait3A_297 = tpu.memref_slice %arg8[%dma_wait3A_290, %dma_wait3A_293, %dma_wait3A_294, %dma_wait3A_295, %dma_wait3A_296] : memref<2x4x4x8x128xf32, #tpu.memory_space<vmem>> -> memref<1x4x4x8x128xf32, #tpu.memory_space<vmem>>
        %dma_wait3A_298 = tpu.memref_squeeze %dma_wait3A_297 : memref<1x4x4x8x128xf32, #tpu.memory_space<vmem>> -> memref<4x4x8x128xf32, #tpu.memory_space<vmem>>
        %dma_wait3A_299 = arith.constant 0 : i32
        %dma_wait3A_300 = arith.constant 0 : i32
        %dma_wait3A_301 = arith.constant 0 : i32
        %dma_wait3A_302 = arith.constant 0 : i32
        %dma_wait3A_303 = arith.constant 0 : i32
        %dma_wait3A_304 = tpu.memref_slice %arg4[%dma_wait3A_299, %dma_wait3A_300, %dma_wait3A_301, %dma_wait3A_302, %dma_wait3A_303] : memref<200x4x32x8x128xf32, #tpu.memory_space<hbm>> -> memref<4x4x32x8x128xf32, #tpu.memory_space<hbm>>
        %dma_wait3A_305 = arith.constant 0 : i32
        %dma_wait3A_306 = arith.constant 0 : i32
        %dma_wait3A_307 = arith.constant 0 : i32
        %dma_wait3A_308 = arith.constant 0 : i32
        %dma_wait3A_309 = tpu.memref_slice %dma_wait3A_304[%dma_wait3A_305, %dma_wait3A_306, %dma_wait3A_291, %dma_wait3A_307, %dma_wait3A_308] : memref<4x4x32x8x128xf32, #tpu.memory_space<hbm>> -> memref<4x4x1x8x128xf32, #tpu.memory_space<hbm>>
        %dma_wait3A_310 = tpu.memref_squeeze %dma_wait3A_309 : memref<4x4x1x8x128xf32, #tpu.memory_space<hbm>> -> memref<4x4x8x128xf32, #tpu.memory_space<hbm>>
        %dma_wait3A_311 = tpu.memref_slice %arg10[%dma_wait3A_292] : memref<2x!tpu.dma_semaphore, #tpu.memory_space<semaphore_mem>> -> memref<1x!tpu.dma_semaphore, #tpu.memory_space<semaphore_mem>>
        %dma_wait3A_312 = tpu.memref_squeeze %dma_wait3A_311 : memref<1x!tpu.dma_semaphore, #tpu.memory_space<semaphore_mem>> -> memref<!tpu.dma_semaphore, #tpu.memory_space<semaphore_mem>>
        %dma_wait3A_313 = arith.constant 0 : i32
        %dma_wait3A_314 = arith.constant 0 : i32
        %dma_wait3A_315 = arith.constant 0 : i32
        %dma_wait3A_316 = arith.constant 0 : i32
        %dma_wait3A_317 = arith.constant 0 : i32
        %dma_wait3A_318 = tpu.memref_slice %arg4[%dma_wait3A_313, %dma_wait3A_314, %dma_wait3A_315, %dma_wait3A_316, %dma_wait3A_317] : memref<200x4x32x8x128xf32, #tpu.memory_space<hbm>> -> memref<4x4x32x8x128xf32, #tpu.memory_space<hbm>>
        %dma_wait3A_319 = arith.constant 0 : i32
        %dma_wait3A_320 = arith.constant 0 : i32
        %dma_wait3A_321 = arith.constant 0 : i32
        %dma_wait3A_322 = arith.constant 0 : i32
        %dma_wait3A_323 = tpu.memref_slice %dma_wait3A_318[%dma_wait3A_319, %dma_wait3A_320, %dma_wait3A_291, %dma_wait3A_321, %dma_wait3A_322] : memref<4x4x32x8x128xf32, #tpu.memory_space<hbm>> -> memref<4x4x1x8x128xf32, #tpu.memory_space<hbm>>
        %dma_wait3A_324 = tpu.memref_squeeze %dma_wait3A_323 : memref<4x4x1x8x128xf32, #tpu.memory_space<hbm>> -> memref<4x4x8x128xf32, #tpu.memory_space<hbm>>
        %dma_wait3A_325 = arith.constant 0 : i32
        %dma_wait3A_326 = arith.constant 0 : i32
        %dma_wait3A_327 = arith.constant 0 : i32
        %dma_wait3A_328 = arith.constant 0 : i32
        %dma_wait3A_329 = tpu.memref_slice %arg8[%dma_wait3A_290, %dma_wait3A_325, %dma_wait3A_326, %dma_wait3A_327, %dma_wait3A_328] : memref<2x4x4x8x128xf32, #tpu.memory_space<vmem>> -> memref<1x4x4x8x128xf32, #tpu.memory_space<vmem>>
        %dma_wait3A_330 = tpu.memref_squeeze %dma_wait3A_329 : memref<1x4x4x8x128xf32, #tpu.memory_space<vmem>> -> memref<4x4x8x128xf32, #tpu.memory_space<vmem>>
        tpu.wait_dma2 semaphore(%dma_wait3A_312 : memref<!tpu.dma_semaphore, #tpu.memory_space<semaphore_mem>>) src(%dma_wait3A_330 : memref<4x4x8x128xf32, #tpu.memory_space<vmem>>) dst(%dma_wait3A_324 : memref<4x4x8x128xf32, #tpu.memory_space<hbm>>)
      } else {
      }
      %parallel_loop3A_240 = arith.constant 0 : i32
      %parallel_loop3A_241 = arith.constant 128 : i32
      %parallel_loop3A_242 = arith.constant 1 : i32
      scf.for %parallel_loop3A_290 = %parallel_loop3A_240 to %parallel_loop3A_241 step %parallel_loop3A_242  : i32 {
        %parallel_loop3A_291 = arith.constant 32 : i32
        %parallel_loop3A_292 = arith.divsi %parallel_loop3A_290, %parallel_loop3A_291 : i32
        %parallel_loop3A_293 = arith.constant 0 : i32
        %parallel_loop3A_294 = arith.cmpi sgt, %parallel_loop3A_290, %parallel_loop3A_293 : i32
        %parallel_loop3A_295 = arith.extui %parallel_loop3A_294 : i1 to i32
        %parallel_loop3A_296 = arith.constant 0 : i32
        %parallel_loop3A_297 = arith.cmpi slt, %parallel_loop3A_290, %parallel_loop3A_296 : i32
        %parallel_loop3A_298 = arith.extui %parallel_loop3A_297 : i1 to i32
        %parallel_loop3A_299 = arith.subi %parallel_loop3A_295, %parallel_loop3A_298 : i32
        %parallel_loop3A_300 = arith.constant 0 : i32
        %parallel_loop3A_301 = arith.cmpi sgt, %parallel_loop3A_291, %parallel_loop3A_300 : i32
        %parallel_loop3A_302 = arith.extui %parallel_loop3A_301 : i1 to i32
        %parallel_loop3A_303 = arith.constant 0 : i32
        %parallel_loop3A_304 = arith.cmpi slt, %parallel_loop3A_291, %parallel_loop3A_303 : i32
        %parallel_loop3A_305 = arith.extui %parallel_loop3A_304 : i1 to i32
        %parallel_loop3A_306 = arith.subi %parallel_loop3A_302, %parallel_loop3A_305 : i32
        %parallel_loop3A_307 = arith.cmpi ne, %parallel_loop3A_299, %parallel_loop3A_306 : i32
        %parallel_loop3A_308 = arith.remsi %parallel_loop3A_290, %parallel_loop3A_291 : i32
        %parallel_loop3A_309 = arith.constant 0 : i32
        %parallel_loop3A_310 = arith.cmpi ne, %parallel_loop3A_308, %parallel_loop3A_309 : i32
        %parallel_loop3A_311 = arith.andi %parallel_loop3A_307, %parallel_loop3A_310 : i1
        %parallel_loop3A_312 = arith.constant 1 : i32
        %parallel_loop3A_313 = arith.subi %parallel_loop3A_292, %parallel_loop3A_312 : i32
        %parallel_loop3A_314 = arith.select %parallel_loop3A_311, %parallel_loop3A_313, %parallel_loop3A_292 : i32
        %parallel_loop3A_315 = arith.constant 32 : i32
        %parallel_loop3A_316 = arith.remsi %parallel_loop3A_290, %parallel_loop3A_315 : i32
        %parallel_loop3A_317 = arith.constant 0 : i32
        %parallel_loop3A_318 = vector.broadcast %parallel_loop3A_317 : i32 to vector<16xi32>
        %parallel_loop3A_319 = vector.broadcast %parallel_loop3A_316 : i32 to vector<16xi32>
        %parallel_loop3A_320 = arith.addi %parallel_loop3A_318, %parallel_loop3A_319 : vector<16xi32>
        %parallel_loop3A_321 = arith.constant 8 : i32
        %parallel_loop3A_322 = arith.divsi %parallel_loop3A_316, %parallel_loop3A_321 : i32
        %parallel_loop3A_323 = arith.constant 0 : i32
        %parallel_loop3A_324 = arith.cmpi sgt, %parallel_loop3A_316, %parallel_loop3A_323 : i32
        %parallel_loop3A_325 = arith.extui %parallel_loop3A_324 : i1 to i32
        %parallel_loop3A_326 = arith.constant 0 : i32
        %parallel_loop3A_327 = arith.cmpi slt, %parallel_loop3A_316, %parallel_loop3A_326 : i32
        %parallel_loop3A_328 = arith.extui %parallel_loop3A_327 : i1 to i32
        %parallel_loop3A_329 = arith.subi %parallel_loop3A_325, %parallel_loop3A_328 : i32
        %parallel_loop3A_330 = arith.constant 0 : i32
        %parallel_loop3A_331 = arith.cmpi sgt, %parallel_loop3A_321, %parallel_loop3A_330 : i32
        %parallel_loop3A_332 = arith.extui %parallel_loop3A_331 : i1 to i32
        %parallel_loop3A_333 = arith.constant 0 : i32
        %parallel_loop3A_334 = arith.cmpi slt, %parallel_loop3A_321, %parallel_loop3A_333 : i32
        %parallel_loop3A_335 = arith.extui %parallel_loop3A_334 : i1 to i32
        %parallel_loop3A_336 = arith.subi %parallel_loop3A_332, %parallel_loop3A_335 : i32
        %parallel_loop3A_337 = arith.cmpi ne, %parallel_loop3A_329, %parallel_loop3A_336 : i32
        %parallel_loop3A_338 = arith.remsi %parallel_loop3A_316, %parallel_loop3A_321 : i32
        %parallel_loop3A_339 = arith.constant 0 : i32
        %parallel_loop3A_340 = arith.cmpi ne, %parallel_loop3A_338, %parallel_loop3A_339 : i32
        %parallel_loop3A_341 = arith.andi %parallel_loop3A_337, %parallel_loop3A_340 : i1
        %parallel_loop3A_342 = arith.constant 1 : i32
        %parallel_loop3A_343 = arith.subi %parallel_loop3A_322, %parallel_loop3A_342 : i32
        %parallel_loop3A_344 = arith.select %parallel_loop3A_341, %parallel_loop3A_343, %parallel_loop3A_322 : i32
        %parallel_loop3A_345 = arith.constant 8 : i32
        %parallel_loop3A_346 = arith.remsi %parallel_loop3A_316, %parallel_loop3A_345 : i32
        %parallel_loop3A_347 = arith.constant 128 : i32
        %parallel_loop3A_348 = arith.muli %parallel_loop3A_314, %parallel_loop3A_347 : i32
        %parallel_loop3A_349 = vector.broadcast %parallel_loop3A_348 : i32 to vector<16xi32>
        %parallel_loop3A_350 = arith.addi %add3A_5, %parallel_loop3A_349 : vector<16xi32>
        %parallel_loop3A_351 = arith.constant 1 : i32
        %parallel_loop3A_352 = arith.constant 0 : i32
        %parallel_loop3A_353 = arith.constant 0 : i32
        %parallel_loop3A_354 = tpu.memref_slice %arg7[%parallel_loop3A_351, %parallel_loop3A_352, %parallel_loop3A_353] : memref<2x512x32xf32, #tpu.memory_space<vmem>> -> memref<1x512x32xf32, #tpu.memory_space<vmem>>
        %parallel_loop3A_355 = tpu.memref_squeeze %parallel_loop3A_354 : memref<1x512x32xf32, #tpu.memory_space<vmem>> -> memref<512x32xf32, #tpu.memory_space<vmem>>
        %parallel_loop3A_356 = tpu.vector_load_idx %parallel_loop3A_355[%parallel_loop3A_350, %parallel_loop3A_320] : memref<512x32xf32, #tpu.memory_space<vmem>>[vector<16xi32>, vector<16xi32>], vector<16xf32>,
        %parallel_loop3A_357 = arith.constant 1 : i32
        %parallel_loop3A_358 = arith.index_cast %parallel_loop3A_357 : i32 to index
        %parallel_loop3A_359 = arith.index_cast %parallel_loop3A_314 : i32 to index
        %parallel_loop3A_360 = arith.index_cast %parallel_loop3A_344 : i32 to index
        %parallel_loop3A_361 = arith.index_cast %parallel_loop3A_346 : i32 to index
        %parallel_loop3A_362 = arith.constant 0 : index
        %parallel_loop3A_363 = tpu.vector_load %arg8[%parallel_loop3A_358, %parallel_loop3A_359, %parallel_loop3A_360, %parallel_loop3A_361, %parallel_loop3A_362] {strides = array<i32>} : memref<2x4x4x8x128xf32, #tpu.memory_space<vmem>>, vector<16xf32>,
        tpu.vector_store %arg8[%parallel_loop3A_358, %parallel_loop3A_359, %parallel_loop3A_360, %parallel_loop3A_361, %parallel_loop3A_362], %parallel_loop3A_356 {strides = array<i32>} : memref<2x4x4x8x128xf32, #tpu.memory_space<vmem>>, vector<16xf32>,
        %parallel_loop3A_364 = vector.broadcast %parallel_loop3A_348 : i32 to vector<16xi32>
        %parallel_loop3A_365 = arith.addi %add3A_8, %parallel_loop3A_364 : vector<16xi32>
        %parallel_loop3A_366 = arith.constant 1 : i32
        %parallel_loop3A_367 = arith.constant 0 : i32
        %parallel_loop3A_368 = arith.constant 0 : i32
        %parallel_loop3A_369 = tpu.memref_slice %arg7[%parallel_loop3A_366, %parallel_loop3A_367, %parallel_loop3A_368] : memref<2x512x32xf32, #tpu.memory_space<vmem>> -> memref<1x512x32xf32, #tpu.memory_space<vmem>>
        %parallel_loop3A_370 = tpu.memref_squeeze %parallel_loop3A_369 : memref<1x512x32xf32, #tpu.memory_space<vmem>> -> memref<512x32xf32, #tpu.memory_space<vmem>>
        %parallel_loop3A_371 = tpu.vector_load_idx %parallel_loop3A_370[%parallel_loop3A_365, %parallel_loop3A_320] : memref<512x32xf32, #tpu.memory_space<vmem>>[vector<16xi32>, vector<16xi32>], vector<16xf32>,
        %parallel_loop3A_372 = arith.constant 1 : i32
        %parallel_loop3A_373 = arith.index_cast %parallel_loop3A_372 : i32 to index
        %parallel_loop3A_374 = arith.index_cast %parallel_loop3A_314 : i32 to index
        %parallel_loop3A_375 = arith.index_cast %parallel_loop3A_344 : i32 to index
        %parallel_loop3A_376 = arith.index_cast %parallel_loop3A_346 : i32 to index
        %parallel_loop3A_377 = arith.constant 16 : index
        %parallel_loop3A_378 = tpu.vector_load %arg8[%parallel_loop3A_373, %parallel_loop3A_374, %parallel_loop3A_375, %parallel_loop3A_376, %parallel_loop3A_377] {strides = array<i32>} : memref<2x4x4x8x128xf32, #tpu.memory_space<vmem>>, vector<16xf32>,
        tpu.vector_store %arg8[%parallel_loop3A_373, %parallel_loop3A_374, %parallel_loop3A_375, %parallel_loop3A_376, %parallel_loop3A_377], %parallel_loop3A_371 {strides = array<i32>} : memref<2x4x4x8x128xf32, #tpu.memory_space<vmem>>, vector<16xf32>,
        %parallel_loop3A_379 = vector.broadcast %parallel_loop3A_348 : i32 to vector<16xi32>
        %parallel_loop3A_380 = arith.addi %add3A_11, %parallel_loop3A_379 : vector<16xi32>
        %parallel_loop3A_381 = arith.constant 1 : i32
        %parallel_loop3A_382 = arith.constant 0 : i32
        %parallel_loop3A_383 = arith.constant 0 : i32
        %parallel_loop3A_384 = tpu.memref_slice %arg7[%parallel_loop3A_381, %parallel_loop3A_382, %parallel_loop3A_383] : memref<2x512x32xf32, #tpu.memory_space<vmem>> -> memref<1x512x32xf32, #tpu.memory_space<vmem>>
        %parallel_loop3A_385 = tpu.memref_squeeze %parallel_loop3A_384 : memref<1x512x32xf32, #tpu.memory_space<vmem>> -> memref<512x32xf32, #tpu.memory_space<vmem>>
        %parallel_loop3A_386 = tpu.vector_load_idx %parallel_loop3A_385[%parallel_loop3A_380, %parallel_loop3A_320] : memref<512x32xf32, #tpu.memory_space<vmem>>[vector<16xi32>, vector<16xi32>], vector<16xf32>,
        %parallel_loop3A_387 = arith.constant 1 : i32
        %parallel_loop3A_388 = arith.index_cast %parallel_loop3A_387 : i32 to index
        %parallel_loop3A_389 = arith.index_cast %parallel_loop3A_314 : i32 to index
        %parallel_loop3A_390 = arith.index_cast %parallel_loop3A_344 : i32 to index
        %parallel_loop3A_391 = arith.index_cast %parallel_loop3A_346 : i32 to index
        %parallel_loop3A_392 = arith.constant 32 : index
        %parallel_loop3A_393 = tpu.vector_load %arg8[%parallel_loop3A_388, %parallel_loop3A_389, %parallel_loop3A_390, %parallel_loop3A_391, %parallel_loop3A_392] {strides = array<i32>} : memref<2x4x4x8x128xf32, #tpu.memory_space<vmem>>, vector<16xf32>,
        tpu.vector_store %arg8[%parallel_loop3A_388, %parallel_loop3A_389, %parallel_loop3A_390, %parallel_loop3A_391, %parallel_loop3A_392], %parallel_loop3A_386 {strides = array<i32>} : memref<2x4x4x8x128xf32, #tpu.memory_space<vmem>>, vector<16xf32>,
        %parallel_loop3A_394 = vector.broadcast %parallel_loop3A_348 : i32 to vector<16xi32>
        %parallel_loop3A_395 = arith.addi %add3A_14, %parallel_loop3A_394 : vector<16xi32>
        %parallel_loop3A_396 = arith.constant 1 : i32
        %parallel_loop3A_397 = arith.constant 0 : i32
        %parallel_loop3A_398 = arith.constant 0 : i32
        %parallel_loop3A_399 = tpu.memref_slice %arg7[%parallel_loop3A_396, %parallel_loop3A_397, %parallel_loop3A_398] : memref<2x512x32xf32, #tpu.memory_space<vmem>> -> memref<1x512x32xf32, #tpu.memory_space<vmem>>
        %parallel_loop3A_400 = tpu.memref_squeeze %parallel_loop3A_399 : memref<1x512x32xf32, #tpu.memory_space<vmem>> -> memref<512x32xf32, #tpu.memory_space<vmem>>
        %parallel_loop3A_401 = tpu.vector_load_idx %parallel_loop3A_400[%parallel_loop3A_395, %parallel_loop3A_320] : memref<512x32xf32, #tpu.memory_space<vmem>>[vector<16xi32>, vector<16xi32>], vector<16xf32>,
        %parallel_loop3A_402 = arith.constant 1 : i32
        %parallel_loop3A_403 = arith.index_cast %parallel_loop3A_402 : i32 to index
        %parallel_loop3A_404 = arith.index_cast %parallel_loop3A_314 : i32 to index
        %parallel_loop3A_405 = arith.index_cast %parallel_loop3A_344 : i32 to index
        %parallel_loop3A_406 = arith.index_cast %parallel_loop3A_346 : i32 to index
        %parallel_loop3A_407 = arith.constant 48 : index
        %parallel_loop3A_408 = tpu.vector_load %arg8[%parallel_loop3A_403, %parallel_loop3A_404, %parallel_loop3A_405, %parallel_loop3A_406, %parallel_loop3A_407] {strides = array<i32>} : memref<2x4x4x8x128xf32, #tpu.memory_space<vmem>>, vector<16xf32>,
        tpu.vector_store %arg8[%parallel_loop3A_403, %parallel_loop3A_404, %parallel_loop3A_405, %parallel_loop3A_406, %parallel_loop3A_407], %parallel_loop3A_401 {strides = array<i32>} : memref<2x4x4x8x128xf32, #tpu.memory_space<vmem>>, vector<16xf32>,
        %parallel_loop3A_409 = vector.broadcast %parallel_loop3A_348 : i32 to vector<16xi32>
        %parallel_loop3A_410 = arith.addi %add3A_17, %parallel_loop3A_409 : vector<16xi32>
        %parallel_loop3A_411 = arith.constant 1 : i32
        %parallel_loop3A_412 = arith.constant 0 : i32
        %parallel_loop3A_413 = arith.constant 0 : i32
        %parallel_loop3A_414 = tpu.memref_slice %arg7[%parallel_loop3A_411, %parallel_loop3A_412, %parallel_loop3A_413] : memref<2x512x32xf32, #tpu.memory_space<vmem>> -> memref<1x512x32xf32, #tpu.memory_space<vmem>>
        %parallel_loop3A_415 = tpu.memref_squeeze %parallel_loop3A_414 : memref<1x512x32xf32, #tpu.memory_space<vmem>> -> memref<512x32xf32, #tpu.memory_space<vmem>>
        %parallel_loop3A_416 = tpu.vector_load_idx %parallel_loop3A_415[%parallel_loop3A_410, %parallel_loop3A_320] : memref<512x32xf32, #tpu.memory_space<vmem>>[vector<16xi32>, vector<16xi32>], vector<16xf32>,
        %parallel_loop3A_417 = arith.constant 1 : i32
        %parallel_loop3A_418 = arith.index_cast %parallel_loop3A_417 : i32 to index
        %parallel_loop3A_419 = arith.index_cast %parallel_loop3A_314 : i32 to index
        %parallel_loop3A_420 = arith.index_cast %parallel_loop3A_344 : i32 to index
        %parallel_loop3A_421 = arith.index_cast %parallel_loop3A_346 : i32 to index
        %parallel_loop3A_422 = arith.constant 64 : index
        %parallel_loop3A_423 = tpu.vector_load %arg8[%parallel_loop3A_418, %parallel_loop3A_419, %parallel_loop3A_420, %parallel_loop3A_421, %parallel_loop3A_422] {strides = array<i32>} : memref<2x4x4x8x128xf32, #tpu.memory_space<vmem>>, vector<16xf32>,
        tpu.vector_store %arg8[%parallel_loop3A_418, %parallel_loop3A_419, %parallel_loop3A_420, %parallel_loop3A_421, %parallel_loop3A_422], %parallel_loop3A_416 {strides = array<i32>} : memref<2x4x4x8x128xf32, #tpu.memory_space<vmem>>, vector<16xf32>,
        %parallel_loop3A_424 = vector.broadcast %parallel_loop3A_348 : i32 to vector<16xi32>
        %parallel_loop3A_425 = arith.addi %add3A_20, %parallel_loop3A_424 : vector<16xi32>
        %parallel_loop3A_426 = arith.constant 1 : i32
        %parallel_loop3A_427 = arith.constant 0 : i32
        %parallel_loop3A_428 = arith.constant 0 : i32
        %parallel_loop3A_429 = tpu.memref_slice %arg7[%parallel_loop3A_426, %parallel_loop3A_427, %parallel_loop3A_428] : memref<2x512x32xf32, #tpu.memory_space<vmem>> -> memref<1x512x32xf32, #tpu.memory_space<vmem>>
        %parallel_loop3A_430 = tpu.memref_squeeze %parallel_loop3A_429 : memref<1x512x32xf32, #tpu.memory_space<vmem>> -> memref<512x32xf32, #tpu.memory_space<vmem>>
        %parallel_loop3A_431 = tpu.vector_load_idx %parallel_loop3A_430[%parallel_loop3A_425, %parallel_loop3A_320] : memref<512x32xf32, #tpu.memory_space<vmem>>[vector<16xi32>, vector<16xi32>], vector<16xf32>,
        %parallel_loop3A_432 = arith.constant 1 : i32
        %parallel_loop3A_433 = arith.index_cast %parallel_loop3A_432 : i32 to index
        %parallel_loop3A_434 = arith.index_cast %parallel_loop3A_314 : i32 to index
        %parallel_loop3A_435 = arith.index_cast %parallel_loop3A_344 : i32 to index
        %parallel_loop3A_436 = arith.index_cast %parallel_loop3A_346 : i32 to index
        %parallel_loop3A_437 = arith.constant 80 : index
        %parallel_loop3A_438 = tpu.vector_load %arg8[%parallel_loop3A_433, %parallel_loop3A_434, %parallel_loop3A_435, %parallel_loop3A_436, %parallel_loop3A_437] {strides = array<i32>} : memref<2x4x4x8x128xf32, #tpu.memory_space<vmem>>, vector<16xf32>,
        tpu.vector_store %arg8[%parallel_loop3A_433, %parallel_loop3A_434, %parallel_loop3A_435, %parallel_loop3A_436, %parallel_loop3A_437], %parallel_loop3A_431 {strides = array<i32>} : memref<2x4x4x8x128xf32, #tpu.memory_space<vmem>>, vector<16xf32>,
        %parallel_loop3A_439 = vector.broadcast %parallel_loop3A_348 : i32 to vector<16xi32>
        %parallel_loop3A_440 = arith.addi %add3A_23, %parallel_loop3A_439 : vector<16xi32>
        %parallel_loop3A_441 = arith.constant 1 : i32
        %parallel_loop3A_442 = arith.constant 0 : i32
        %parallel_loop3A_443 = arith.constant 0 : i32
        %parallel_loop3A_444 = tpu.memref_slice %arg7[%parallel_loop3A_441, %parallel_loop3A_442, %parallel_loop3A_443] : memref<2x512x32xf32, #tpu.memory_space<vmem>> -> memref<1x512x32xf32, #tpu.memory_space<vmem>>
        %parallel_loop3A_445 = tpu.memref_squeeze %parallel_loop3A_444 : memref<1x512x32xf32, #tpu.memory_space<vmem>> -> memref<512x32xf32, #tpu.memory_space<vmem>>
        %parallel_loop3A_446 = tpu.vector_load_idx %parallel_loop3A_445[%parallel_loop3A_440, %parallel_loop3A_320] : memref<512x32xf32, #tpu.memory_space<vmem>>[vector<16xi32>, vector<16xi32>], vector<16xf32>,
        %parallel_loop3A_447 = arith.constant 1 : i32
        %parallel_loop3A_448 = arith.index_cast %parallel_loop3A_447 : i32 to index
        %parallel_loop3A_449 = arith.index_cast %parallel_loop3A_314 : i32 to index
        %parallel_loop3A_450 = arith.index_cast %parallel_loop3A_344 : i32 to index
        %parallel_loop3A_451 = arith.index_cast %parallel_loop3A_346 : i32 to index
        %parallel_loop3A_452 = arith.constant 96 : index
        %parallel_loop3A_453 = tpu.vector_load %arg8[%parallel_loop3A_448, %parallel_loop3A_449, %parallel_loop3A_450, %parallel_loop3A_451, %parallel_loop3A_452] {strides = array<i32>} : memref<2x4x4x8x128xf32, #tpu.memory_space<vmem>>, vector<16xf32>,
        tpu.vector_store %arg8[%parallel_loop3A_448, %parallel_loop3A_449, %parallel_loop3A_450, %parallel_loop3A_451, %parallel_loop3A_452], %parallel_loop3A_446 {strides = array<i32>} : memref<2x4x4x8x128xf32, #tpu.memory_space<vmem>>, vector<16xf32>,
        %parallel_loop3A_454 = vector.broadcast %parallel_loop3A_348 : i32 to vector<16xi32>
        %parallel_loop3A_455 = arith.addi %add3A_26, %parallel_loop3A_454 : vector<16xi32>
        %parallel_loop3A_456 = arith.constant 1 : i32
        %parallel_loop3A_457 = arith.constant 0 : i32
        %parallel_loop3A_458 = arith.constant 0 : i32
        %parallel_loop3A_459 = tpu.memref_slice %arg7[%parallel_loop3A_456, %parallel_loop3A_457, %parallel_loop3A_458] : memref<2x512x32xf32, #tpu.memory_space<vmem>> -> memref<1x512x32xf32, #tpu.memory_space<vmem>>
        %parallel_loop3A_460 = tpu.memref_squeeze %parallel_loop3A_459 : memref<1x512x32xf32, #tpu.memory_space<vmem>> -> memref<512x32xf32, #tpu.memory_space<vmem>>
        %parallel_loop3A_461 = tpu.vector_load_idx %parallel_loop3A_460[%parallel_loop3A_455, %parallel_loop3A_320] : memref<512x32xf32, #tpu.memory_space<vmem>>[vector<16xi32>, vector<16xi32>], vector<16xf32>,
        %parallel_loop3A_462 = arith.constant 1 : i32
        %parallel_loop3A_463 = arith.index_cast %parallel_loop3A_462 : i32 to index
        %parallel_loop3A_464 = arith.index_cast %parallel_loop3A_314 : i32 to index
        %parallel_loop3A_465 = arith.index_cast %parallel_loop3A_344 : i32 to index
        %parallel_loop3A_466 = arith.index_cast %parallel_loop3A_346 : i32 to index
        %parallel_loop3A_467 = arith.constant 112 : index
        %parallel_loop3A_468 = tpu.vector_load %arg8[%parallel_loop3A_463, %parallel_loop3A_464, %parallel_loop3A_465, %parallel_loop3A_466, %parallel_loop3A_467] {strides = array<i32>} : memref<2x4x4x8x128xf32, #tpu.memory_space<vmem>>, vector<16xf32>,
        tpu.vector_store %arg8[%parallel_loop3A_463, %parallel_loop3A_464, %parallel_loop3A_465, %parallel_loop3A_466, %parallel_loop3A_467], %parallel_loop3A_461 {strides = array<i32>} : memref<2x4x4x8x128xf32, #tpu.memory_space<vmem>>, vector<16xf32>,
      } {sc.loop_unroll_factor = 8 : i64, sc.parallel_access}
      %mul3A_243 = arith.constant 4 : i32
      %mul3A_244 = arith.muli %add3A_216, %mul3A_243 : i32
      %dma_start3A_245 = arith.constant 1 : i32
      %dma_start3A_246 = arith.constant 1 : i32
      %dma_start3A_247 = arith.constant 0 : i32
      %dma_start3A_248 = arith.constant 0 : i32
      %dma_start3A_249 = arith.constant 0 : i32
      %dma_start3A_250 = arith.constant 0 : i32
      %dma_start3A_251 = tpu.memref_slice %arg8[%dma_start3A_245, %dma_start3A_247, %dma_start3A_248, %dma_start3A_249, %dma_start3A_250] : memref<2x4x4x8x128xf32, #tpu.memory_space<vmem>> -> memref<1x4x4x8x128xf32, #tpu.memory_space<vmem>>
      %dma_start3A_252 = tpu.memref_squeeze %dma_start3A_251 : memref<1x4x4x8x128xf32, #tpu.memory_space<vmem>> -> memref<4x4x8x128xf32, #tpu.memory_space<vmem>>
      %dma_start3A_253 = arith.constant 0 : i32
      %dma_start3A_254 = arith.constant 0 : i32
      %dma_start3A_255 = arith.constant 0 : i32
      %dma_start3A_256 = arith.constant 0 : i32
      %dma_start3A_257 = tpu.memref_slice %arg4[%mul3A_244, %dma_start3A_253, %dma_start3A_254, %dma_start3A_255, %dma_start3A_256] : memref<200x4x32x8x128xf32, #tpu.memory_space<hbm>> -> memref<4x4x32x8x128xf32, #tpu.memory_space<hbm>>
      %dma_start3A_258 = arith.constant 0 : i32
      %dma_start3A_259 = arith.constant 0 : i32
      %dma_start3A_260 = arith.constant 0 : i32
      %dma_start3A_261 = arith.constant 0 : i32
      %dma_start3A_262 = tpu.memref_slice %dma_start3A_257[%dma_start3A_258, %dma_start3A_259, %add3A, %dma_start3A_260, %dma_start3A_261] : memref<4x4x32x8x128xf32, #tpu.memory_space<hbm>> -> memref<4x4x1x8x128xf32, #tpu.memory_space<hbm>>
      %dma_start3A_263 = tpu.memref_squeeze %dma_start3A_262 : memref<4x4x1x8x128xf32, #tpu.memory_space<hbm>> -> memref<4x4x8x128xf32, #tpu.memory_space<hbm>>
      %dma_start3A_264 = tpu.memref_slice %arg10[%dma_start3A_246] : memref<2x!tpu.dma_semaphore, #tpu.memory_space<semaphore_mem>> -> memref<1x!tpu.dma_semaphore, #tpu.memory_space<semaphore_mem>>
      %dma_start3A_265 = tpu.memref_squeeze %dma_start3A_264 : memref<1x!tpu.dma_semaphore, #tpu.memory_space<semaphore_mem>> -> memref<!tpu.dma_semaphore, #tpu.memory_space<semaphore_mem>>
      %dma_start3A_266 = arith.constant 0 : i32
      %dma_start3A_267 = arith.constant 0 : i32
      %dma_start3A_268 = arith.constant 0 : i32
      %dma_start3A_269 = arith.constant 0 : i32
      %dma_start3A_270 = tpu.memref_slice %arg4[%mul3A_244, %dma_start3A_266, %dma_start3A_267, %dma_start3A_268, %dma_start3A_269] : memref<200x4x32x8x128xf32, #tpu.memory_space<hbm>> -> memref<4x4x32x8x128xf32, #tpu.memory_space<hbm>>
      %dma_start3A_271 = arith.constant 0 : i32
      %dma_start3A_272 = arith.constant 0 : i32
      %dma_start3A_273 = arith.constant 0 : i32
      %dma_start3A_274 = arith.constant 0 : i32
      %dma_start3A_275 = tpu.memref_slice %dma_start3A_270[%dma_start3A_271, %dma_start3A_272, %add3A, %dma_start3A_273, %dma_start3A_274] : memref<4x4x32x8x128xf32, #tpu.memory_space<hbm>> -> memref<4x4x1x8x128xf32, #tpu.memory_space<hbm>>
      %dma_start3A_276 = tpu.memref_squeeze %dma_start3A_275 : memref<4x4x1x8x128xf32, #tpu.memory_space<hbm>> -> memref<4x4x8x128xf32, #tpu.memory_space<hbm>>
      %dma_start3A_277 = arith.constant 0 : i32
      %dma_start3A_278 = arith.constant 0 : i32
      %dma_start3A_279 = arith.constant 0 : i32
      %dma_start3A_280 = arith.constant 0 : i32
      %dma_start3A_281 = tpu.memref_slice %arg8[%dma_start3A_245, %dma_start3A_277, %dma_start3A_278, %dma_start3A_279, %dma_start3A_280] : memref<2x4x4x8x128xf32, #tpu.memory_space<vmem>> -> memref<1x4x4x8x128xf32, #tpu.memory_space<vmem>>
      %dma_start3A_282 = tpu.memref_squeeze %dma_start3A_281 : memref<1x4x4x8x128xf32, #tpu.memory_space<vmem>> -> memref<4x4x8x128xf32, #tpu.memory_space<vmem>>
      tpu.enqueue_dma source(%dma_start3A_282 : memref<4x4x8x128xf32, #tpu.memory_space<vmem>>) target(%dma_start3A_276 : memref<4x4x8x128xf32, #tpu.memory_space<hbm>>) target_semaphore(%dma_start3A_265 : memref<!tpu.dma_semaphore, #tpu.memory_space<semaphore_mem>>)
      %add3A_283 = arith.constant 2 : i32
      %add3A_284 = arith.addi %add3A_216, %add3A_283 : i32
      %lt3A_285 = arith.constant 50 : i32
      %lt3A_286 = arith.cmpi slt, %add3A_284, %lt3A_285 : i32
      %convert_element_type3A_287 = arith.extui %lt3A_286 : i1 to i32
      %cond3A_288 = arith.constant 0 : i32
      %cond3A_289 = arith.cmpi ne, %convert_element_type3A_287, %cond3A_288 : i32
      scf.if %cond3A_289 {
        %add3A_290 = arith.constant 2 : i32
        %add3A_291 = arith.addi %add3A_216, %add3A_290 : i32
        %mul3A_292 = arith.constant 4 : i32
        %mul3A_293 = arith.muli %add3A_291, %mul3A_292 : i32
        %mul3A_294 = arith.constant 128 : i32
        %mul3A_295 = arith.muli %mul3A_293, %mul3A_294 : i32
        %dma_start3A_296 = arith.constant 1 : i32
        %dma_start3A_297 = arith.constant 1 : i32
        %dma_start3A_298 = arith.constant 0 : i32
        %dma_start3A_299 = arith.constant 0 : i32
        %dma_start3A_300 = tpu.memref_slice %arg7[%dma_start3A_296, %dma_start3A_298, %dma_start3A_299] : memref<2x512x32xf32, #tpu.memory_space<vmem>> -> memref<1x512x32xf32, #tpu.memory_space<vmem>>
        %dma_start3A_301 = tpu.memref_squeeze %dma_start3A_300 : memref<1x512x32xf32, #tpu.memory_space<vmem>> -> memref<512x32xf32, #tpu.memory_space<vmem>>
        %dma_start3A_302 = tpu.memref_slice %arg6[%mul3A_295] : memref<25600xi32, #tpu.memory_space<vmem>> -> memref<512xi32, #tpu.memory_space<vmem>>
        %dma_start3A_303 = arith.constant 0 : i32
        %dma_start3A_304 = arith.constant 0 : i32
        %dma_start3A_305 = tpu.memref_slice %arg3[%dma_start3A_303, %dma_start3A_304] : memref<1000000x32xf32, #tpu.memory_space<hbm>> -> memref<1000000x32xf32, #tpu.memory_space<hbm>>
        %dma_start3A_306 = tpu.memref_slice %arg9[%dma_start3A_297] : memref<2x!tpu.dma_semaphore, #tpu.memory_space<semaphore_mem>> -> memref<1x!tpu.dma_semaphore, #tpu.memory_space<semaphore_mem>>
        %dma_start3A_307 = tpu.memref_squeeze %dma_start3A_306 : memref<1x!tpu.dma_semaphore, #tpu.memory_space<semaphore_mem>> -> memref<!tpu.dma_semaphore, #tpu.memory_space<semaphore_mem>>
        tpu.enqueue_indirect_dma source(%dma_start3A_305 : memref<1000000x32xf32, #tpu.memory_space<hbm>>) target(%dma_start3A_301 : memref<512x32xf32, #tpu.memory_space<vmem>>) offsets(%dma_start3A_302 : memref<512xi32, #tpu.memory_space<vmem>>) semaphore(%dma_start3A_307 : memref<!tpu.dma_semaphore, #tpu.memory_space<semaphore_mem>>)
      } else {
      }
    }
    %scan3A_57 = arith.constant 25 : i32
    %dma_wait3A = arith.constant 0 : i32
    %dma_wait3A_58 = arith.constant 0 : i32
    %dma_wait3A_59 = arith.constant 0 : i32
    %dma_wait3A_60 = arith.constant 0 : i32
    %dma_wait3A_61 = arith.constant 0 : i32
    %dma_wait3A_62 = arith.constant 0 : i32
    %dma_wait3A_63 = arith.constant 0 : i32
    %dma_wait3A_64 = tpu.memref_slice %arg8[%dma_wait3A, %dma_wait3A_60, %dma_wait3A_61, %dma_wait3A_62, %dma_wait3A_63] : memref<2x4x4x8x128xf32, #tpu.memory_space<vmem>> -> memref<1x4x4x8x128xf32, #tpu.memory_space<vmem>>
    %dma_wait3A_65 = tpu.memref_squeeze %dma_wait3A_64 : memref<1x4x4x8x128xf32, #tpu.memory_space<vmem>> -> memref<4x4x8x128xf32, #tpu.memory_space<vmem>>
    %dma_wait3A_66 = arith.constant 0 : i32
    %dma_wait3A_67 = arith.constant 0 : i32
    %dma_wait3A_68 = arith.constant 0 : i32
    %dma_wait3A_69 = arith.constant 0 : i32
    %dma_wait3A_70 = arith.constant 0 : i32
    %dma_wait3A_71 = tpu.memref_slice %arg4[%dma_wait3A_66, %dma_wait3A_67, %dma_wait3A_68, %dma_wait3A_69, %dma_wait3A_70] : memref<200x4x32x8x128xf32, #tpu.memory_space<hbm>> -> memref<4x4x32x8x128xf32, #tpu.memory_space<hbm>>
    %dma_wait3A_72 = arith.constant 0 : i32
    %dma_wait3A_73 = arith.constant 0 : i32
    %dma_wait3A_74 = arith.constant 0 : i32
    %dma_wait3A_75 = arith.constant 0 : i32
    %dma_wait3A_76 = tpu.memref_slice %dma_wait3A_71[%dma_wait3A_72, %dma_wait3A_73, %dma_wait3A_58, %dma_wait3A_74, %dma_wait3A_75] : memref<4x4x32x8x128xf32, #tpu.memory_space<hbm>> -> memref<4x4x1x8x128xf32, #tpu.memory_space<hbm>>
    %dma_wait3A_77 = tpu.memref_squeeze %dma_wait3A_76 : memref<4x4x1x8x128xf32, #tpu.memory_space<hbm>> -> memref<4x4x8x128xf32, #tpu.memory_space<hbm>>
    %dma_wait3A_78 = tpu.memref_slice %arg10[%dma_wait3A_59] : memref<2x!tpu.dma_semaphore, #tpu.memory_space<semaphore_mem>> -> memref<1x!tpu.dma_semaphore, #tpu.memory_space<semaphore_mem>>
    %dma_wait3A_79 = tpu.memref_squeeze %dma_wait3A_78 : memref<1x!tpu.dma_semaphore, #tpu.memory_space<semaphore_mem>> -> memref<!tpu.dma_semaphore, #tpu.memory_space<semaphore_mem>>
    %dma_wait3A_80 = arith.constant 0 : i32
    %dma_wait3A_81 = arith.constant 0 : i32
    %dma_wait3A_82 = arith.constant 0 : i32
    %dma_wait3A_83 = arith.constant 0 : i32
    %dma_wait3A_84 = arith.constant 0 : i32
    %dma_wait3A_85 = tpu.memref_slice %arg4[%dma_wait3A_80, %dma_wait3A_81, %dma_wait3A_82, %dma_wait3A_83, %dma_wait3A_84] : memref<200x4x32x8x128xf32, #tpu.memory_space<hbm>> -> memref<4x4x32x8x128xf32, #tpu.memory_space<hbm>>
    %dma_wait3A_86 = arith.constant 0 : i32
    %dma_wait3A_87 = arith.constant 0 : i32
    %dma_wait3A_88 = arith.constant 0 : i32
    %dma_wait3A_89 = arith.constant 0 : i32
    %dma_wait3A_90 = tpu.memref_slice %dma_wait3A_85[%dma_wait3A_86, %dma_wait3A_87, %dma_wait3A_58, %dma_wait3A_88, %dma_wait3A_89] : memref<4x4x32x8x128xf32, #tpu.memory_space<hbm>> -> memref<4x4x1x8x128xf32, #tpu.memory_space<hbm>>
    %dma_wait3A_91 = tpu.memref_squeeze %dma_wait3A_90 : memref<4x4x1x8x128xf32, #tpu.memory_space<hbm>> -> memref<4x4x8x128xf32, #tpu.memory_space<hbm>>
    %dma_wait3A_92 = arith.constant 0 : i32
    %dma_wait3A_93 = arith.constant 0 : i32
    %dma_wait3A_94 = arith.constant 0 : i32
    %dma_wait3A_95 = arith.constant 0 : i32
    %dma_wait3A_96 = tpu.memref_slice %arg8[%dma_wait3A, %dma_wait3A_92, %dma_wait3A_93, %dma_wait3A_94, %dma_wait3A_95] : memref<2x4x4x8x128xf32, #tpu.memory_space<vmem>> -> memref<1x4x4x8x128xf32, #tpu.memory_space<vmem>>
    %dma_wait3A_97 = tpu.memref_squeeze %dma_wait3A_96 : memref<1x4x4x8x128xf32, #tpu.memory_space<vmem>> -> memref<4x4x8x128xf32, #tpu.memory_space<vmem>>
    tpu.wait_dma2 semaphore(%dma_wait3A_79 : memref<!tpu.dma_semaphore, #tpu.memory_space<semaphore_mem>>) src(%dma_wait3A_97 : memref<4x4x8x128xf32, #tpu.memory_space<vmem>>) dst(%dma_wait3A_91 : memref<4x4x8x128xf32, #tpu.memory_space<hbm>>)
    %dma_wait3A_98 = arith.constant 1 : i32
    %dma_wait3A_99 = arith.constant 0 : i32
    %dma_wait3A_100 = arith.constant 1 : i32
    %dma_wait3A_101 = arith.constant 0 : i32
    %dma_wait3A_102 = arith.constant 0 : i32
    %dma_wait3A_103 = arith.constant 0 : i32
    %dma_wait3A_104 = arith.constant 0 : i32
    %dma_wait3A_105 = tpu.memref_slice %arg8[%dma_wait3A_98, %dma_wait3A_101, %dma_wait3A_102, %dma_wait3A_103, %dma_wait3A_104] : memref<2x4x4x8x128xf32, #tpu.memory_space<vmem>> -> memref<1x4x4x8x128xf32, #tpu.memory_space<vmem>>
    %dma_wait3A_106 = tpu.memref_squeeze %dma_wait3A_105 : memref<1x4x4x8x128xf32, #tpu.memory_space<vmem>> -> memref<4x4x8x128xf32, #tpu.memory_space<vmem>>
    %dma_wait3A_107 = arith.constant 0 : i32
    %dma_wait3A_108 = arith.constant 0 : i32
    %dma_wait3A_109 = arith.constant 0 : i32
    %dma_wait3A_110 = arith.constant 0 : i32
    %dma_wait3A_111 = arith.constant 0 : i32
    %dma_wait3A_112 = tpu.memref_slice %arg4[%dma_wait3A_107, %dma_wait3A_108, %dma_wait3A_109, %dma_wait3A_110, %dma_wait3A_111] : memref<200x4x32x8x128xf32, #tpu.memory_space<hbm>> -> memref<4x4x32x8x128xf32, #tpu.memory_space<hbm>>
    %dma_wait3A_113 = arith.constant 0 : i32
    %dma_wait3A_114 = arith.constant 0 : i32
    %dma_wait3A_115 = arith.constant 0 : i32
    %dma_wait3A_116 = arith.constant 0 : i32
    %dma_wait3A_117 = tpu.memref_slice %dma_wait3A_112[%dma_wait3A_113, %dma_wait3A_114, %dma_wait3A_99, %dma_wait3A_115, %dma_wait3A_116] : memref<4x4x32x8x128xf32, #tpu.memory_space<hbm>> -> memref<4x4x1x8x128xf32, #tpu.memory_space<hbm>>
    %dma_wait3A_118 = tpu.memref_squeeze %dma_wait3A_117 : memref<4x4x1x8x128xf32, #tpu.memory_space<hbm>> -> memref<4x4x8x128xf32, #tpu.memory_space<hbm>>
    %dma_wait3A_119 = tpu.memref_slice %arg10[%dma_wait3A_100] : memref<2x!tpu.dma_semaphore, #tpu.memory_space<semaphore_mem>> -> memref<1x!tpu.dma_semaphore, #tpu.memory_space<semaphore_mem>>
    %dma_wait3A_120 = tpu.memref_squeeze %dma_wait3A_119 : memref<1x!tpu.dma_semaphore, #tpu.memory_space<semaphore_mem>> -> memref<!tpu.dma_semaphore, #tpu.memory_space<semaphore_mem>>
    %dma_wait3A_121 = arith.constant 0 : i32
    %dma_wait3A_122 = arith.constant 0 : i32
    %dma_wait3A_123 = arith.constant 0 : i32
    %dma_wait3A_124 = arith.constant 0 : i32
    %dma_wait3A_125 = arith.constant 0 : i32
    %dma_wait3A_126 = tpu.memref_slice %arg4[%dma_wait3A_121, %dma_wait3A_122, %dma_wait3A_123, %dma_wait3A_124, %dma_wait3A_125] : memref<200x4x32x8x128xf32, #tpu.memory_space<hbm>> -> memref<4x4x32x8x128xf32, #tpu.memory_space<hbm>>
    %dma_wait3A_127 = arith.constant 0 : i32
    %dma_wait3A_128 = arith.constant 0 : i32
    %dma_wait3A_129 = arith.constant 0 : i32
    %dma_wait3A_130 = arith.constant 0 : i32
    %dma_wait3A_131 = tpu.memref_slice %dma_wait3A_126[%dma_wait3A_127, %dma_wait3A_128, %dma_wait3A_99, %dma_wait3A_129, %dma_wait3A_130] : memref<4x4x32x8x128xf32, #tpu.memory_space<hbm>> -> memref<4x4x1x8x128xf32, #tpu.memory_space<hbm>>
    %dma_wait3A_132 = tpu.memref_squeeze %dma_wait3A_131 : memref<4x4x1x8x128xf32, #tpu.memory_space<hbm>> -> memref<4x4x8x128xf32, #tpu.memory_space<hbm>>
    %dma_wait3A_133 = arith.constant 0 : i32
    %dma_wait3A_134 = arith.constant 0 : i32
    %dma_wait3A_135 = arith.constant 0 : i32
    %dma_wait3A_136 = arith.constant 0 : i32
    %dma_wait3A_137 = tpu.memref_slice %arg8[%dma_wait3A_98, %dma_wait3A_133, %dma_wait3A_134, %dma_wait3A_135, %dma_wait3A_136] : memref<2x4x4x8x128xf32, #tpu.memory_space<vmem>> -> memref<1x4x4x8x128xf32, #tpu.memory_space<vmem>>
    %dma_wait3A_138 = tpu.memref_squeeze %dma_wait3A_137 : memref<1x4x4x8x128xf32, #tpu.memory_space<vmem>> -> memref<4x4x8x128xf32, #tpu.memory_space<vmem>>
    tpu.wait_dma2 semaphore(%dma_wait3A_120 : memref<!tpu.dma_semaphore, #tpu.memory_space<semaphore_mem>>) src(%dma_wait3A_138 : memref<4x4x8x128xf32, #tpu.memory_space<vmem>>) dst(%dma_wait3A_132 : memref<4x4x8x128xf32, #tpu.memory_space<hbm>>)
    return
  }
}

</mosaic_0001>

<sc_bundles>
// kernel: _emb_call.3.cloned.1.call-start
scs
__scs_entry_jumppad:
0x0: {  	(pc) =	sbr.rel $0x88, $3  }
0x1: {  	(tag) =	ssettag $0x0;
	lr =	simm.s32 $0x1  }
0x2: {  	[smem:$0x3F9F] =	sst lr;
	_ =	strace $0xD0000000  }
0x3: {  	_ = 	snop  }
0x4: {  	_ = 	snop  }
0x5: {  	_ = 	snop  }
0x6: {  	_ = 	snop  }
0x7: {  	_ = 	snop  }
__scs_overlays_trampoline_lowered:
0x8: {  	[smem:$0x3FAE] =	sst s0  }
0x9: {  	[smem:$0x3FAF] =	sst s1  }
0xa: {  	[smem:$0x3FB0] =	sst s2  }
0xb: {  	[smem:$0x3FB1] =	sst s3  }
0xc: {  	[smem:$0x3FB2] =	sst s4  }
0xd: {  	[smem:$0x3FB3] =	sst s5  }
0xe: {  	[smem:$0x3FB4] =	sst s6  }
0xf: {  	[smem:$0x3FB5] =	sst s7  }
0x10: {  	[smem:$0x3FB6] =	sst s8  }
0x11: {  	[smem:$0x3FB7] =	sst s9;
	s0 =	simm.s32 @!p0 $0x0  }
0x12: {  	s1 =	sld [smem:$0x3F9D];
	s0 =	simm.s32 @p0 $0x1  }
0x13: {  	[smem:$0x3FB8] =	sst s0;
	s0 =	simm.s32 @!p1 $0x0  }
0x14: {  	s2 =	sld [smem:$0x3F9C];
	s0 =	simm.s32 @p1 $0x1  }
0x15: {  	[smem:$0x3FB9] =	sst s0;
	s0 =	simm.s32 @!p2 $0x0  }
0x16: {  	s3 =	sld [smem:$0x3FDB];
	s0 =	simm.s32 @p2 $0x1  }
0x17: {  	s4 =	simm.s32 $0x1BF5;
	[smem:$0x3FBB] =	sst s0  }
0x18: {  	s0 =	sld [smem:$0x3F9E];
	_ =	swait.ge [sflag:s4], $0x0  }
0x19: {  	s7 =	sld [smem:$0x3F9F]  }
0x1a: {  	s8 =	sadd.s32 $0xFFFFE003, lr  }
0x1b: {  	s9 =	sadd.s32 $0xFFFFFEF7, lr;
	s5 =	simm.s32 $0xFFFFFFFF;
	p2 =	slt.u32 s8, $0xFFFFF086  }
0x1c: {  	p1 =	slt.u32 s9, $0xF7A;
	s5 =	simm.s32 @!p2 $0x0  }
0x1d: {  	s5 =	simm.s32 @p1 $0x1;
	p0 =	seq.s32 s7, s2  }
0x1e: {  	s7 =	smul.u32 @!p0 $0xF7A, s2;
	p2 =	seq.s32 @!p0 s5, $0x0  }
0x1f: {  	s9 =	smul.u32 $0xF7A, s1;
	s8 =	simm.s32 @!p0 $0x1BF5;
	p2 =	por !p2, p0  }
0x20: {  	[sflag:s8] =	ssyncset.s32 @!p0 $0xFFFFF086;
	s6 =	sadd.s32 @!p0 s3, s7;
	s7 =	simm.s32 @!p0 $0x108  }
0x21: {  	s3 =	sadd.s32 s3, s9;
	s6 =	sadd.s32 @!p0 $0x88, s6;
	s7 =	simm.s32 @p2 $0x1082  }
0x22: {  	[simem:s7], [sflag:s8] =	dma.local @!p0 [hbm:s6], $0xF7A  }
0x23: {  	s9 =	sor.u32 $0xD0000000, s2;
	s6 =	simm.s32 $0x108;
	_ =	swait.ge @!p0 [sflag:s8], $0x0  }
0x24: {  	s3 =	sadd.s32 $0x88, s3;
	s6 =	simm.s32 @!p1 $0x1082;
	[sflag:s4] =	ssyncset.s32 $0xFFFFF086  }
0x25: {  	[simem:s6], [sflag:s4] =	dma.local [hbm:s3], $0xF7A  }
0x26: {  	[smem:$0x3F9F] =	sst s1;
	(tag) =	ssettag s2;
	_ =	strace s9  }
0x27: {  	s1 =	sld [smem:$0x3FAF]  }
0x28: {  	s2 =	sld [smem:$0x3FB0]  }
0x29: {  	s4 =	sld [smem:$0x3FB2]  }
0x2a: {  	p0 =	seq.s32 s5, $0x0;
	s5 =	sld [smem:$0x3FB3]  }
0x2b: {  	s6 =	sld [smem:$0x3FB4]  }
0x2c: {  	s7 =	sld [smem:$0x3FB5]  }
0x2d: {  	s3 =	simm.s32 $0x108;
	s8 =	sld [smem:$0x3FB6]  }
0x2e: {  	s3 =	simm.s32 @!p0 $0x1082;
	s9 =	sld [smem:$0x3FB7]  }
0x2f: {  	lr =	sadd.s32 s0, s3;
	s0 =	sld [smem:$0x3FAE]  }
0x30: {  	s3 =	sld [smem:$0x3FB1]  }
0x31: {  	[smem:$0x3FBA] =	sst s10  }
0x32: {  	s10 =	sld [smem:$0x3FB8];
	_ =	sdelay $0x3  }
0x33: {  	p0 =	seq.s32 s10, $0x1;
	s10 =	sld [smem:$0x3FBA];
	_ =	sdelay $0x3  }
0x34: {  	[smem:$0x3FBA] =	sst s10  }
0x35: {  	s10 =	sld [smem:$0x3FB9];
	_ =	sdelay $0x3  }
0x36: {  	p1 =	seq.s32 s10, $0x1;
	s10 =	sld [smem:$0x3FBA];
	_ =	sdelay $0x3  }
0x37: {  	[smem:$0x3FBA] =	sst s10  }
0x38: {  	s10 =	sld [smem:$0x3FBB]  }
0x39: {  	_ = 	snop;
	(pc) =	sbr.ind lr, $3  }
0x3a: {  	_ = 	snop  }
0x3b: {  	_ = 	snop  }
0x3c: {  	p2 =	seq.s32 s10, $0x1;
	s10 =	sld [smem:$0x3FBA]  }
0x3d: {  	_ =	shalt  }
0x3e: {  	_ =	shalt  }
0x3f: {  	_ =	shalt  }
0x40: {  	_ =	shalt  }
0x41: {  	_ =	shalt  }
0x42: {  	_ =	shalt  }
0x43: {  	_ =	shalt  }
0x44: {  	_ =	shalt  }
0x45: {  	_ =	shalt  }
0x46: {  	_ =	shalt  }
0x47: {  	_ =	shalt  }
0x48: {  	_ =	shalt  }
0x49: {  	_ =	shalt  }
0x4a: {  	_ =	shalt  }
0x4b: {  	_ =	shalt  }
0x4c: {  	_ =	shalt  }
0x4d: {  	_ =	shalt  }
0x4e: {  	_ =	shalt  }
0x4f: {  	_ =	shalt  }
0x50: {  	_ =	shalt  }
0x51: {  	_ =	shalt  }
0x52: {  	_ =	shalt  }
0x53: {  	_ =	shalt  }
0x54: {  	_ =	shalt  }
0x55: {  	_ =	shalt  }
0x56: {  	_ =	shalt  }
0x57: {  	_ =	shalt  }
0x58: {  	_ =	shalt  }
0x59: {  	_ =	shalt  }
0x5a: {  	_ =	shalt  }
0x5b: {  	_ =	shalt  }
0x5c: {  	_ =	shalt  }
0x5d: {  	_ =	shalt  }
0x5e: {  	_ =	shalt  }
0x5f: {  	_ =	shalt  }
0x60: {  	_ =	shalt  }
0x61: {  	_ =	shalt  }
0x62: {  	_ =	shalt  }
0x63: {  	_ =	shalt  }
0x64: {  	_ =	shalt  }
0x65: {  	_ =	shalt  }
0x66: {  	_ =	shalt  }
0x67: {  	_ =	shalt  }
0x68: {  	_ =	shalt  }
0x69: {  	_ =	shalt  }
0x6a: {  	_ =	shalt  }
0x6b: {  	_ =	shalt  }
0x6c: {  	_ =	shalt  }
0x6d: {  	_ =	shalt  }
0x6e: {  	_ =	shalt  }
0x6f: {  	_ =	shalt  }
0x70: {  	_ =	shalt  }
0x71: {  	_ =	shalt  }
0x72: {  	_ =	shalt  }
0x73: {  	_ =	shalt  }
0x74: {  	_ =	shalt  }
0x75: {  	_ =	shalt  }
0x76: {  	_ =	shalt  }
0x77: {  	_ =	shalt  }
0x78: {  	_ =	shalt  }
0x79: {  	_ =	shalt  }
0x7a: {  	_ =	shalt  }
0x7b: {  	_ =	shalt  }
0x7c: {  	_ =	shalt  }
0x7d: {  	_ =	shalt  }
0x7e: {  	_ =	shalt  }
0x7f: {  	_ =	shalt  }
0x80: {  	_ =	shalt  }
0x81: {  	_ =	shalt  }
0x82: {  	_ =	shalt  }
0x83: {  	_ =	shalt  }
0x84: {  	_ =	shalt  }
0x85: {  	_ =	shalt  }
0x86: {  	_ =	shalt  }
0x87: {  	_ =	shalt  }
.Lfunc_end0:
.L_simem_size_0:
called_computation_lowered:
.L_overlay_start_0:
0x88: {  	s2 =	sld [smem:$0x3FD9]  }
0x89: {  	s3 =	sld [smem:$0x3FFE];
	_ =	sdelay $0x1  }
0x8a: {  	s1 =	srdreg.scid  }
0x8b: {  	s0 =	sand.u32 $0x1, s1  }
0x8c: {  	s17 =	sshll.u32 s0, $0xA;
	s2 =	sadd.s32 s3, s2  }
0x8d: {  	s2 =	sadd.s32 s2, s17  }
0x8e: {  	[smem:$0x3FC6] =	sst s2  }
0x8f: {  	_ = 	snop  }
0x90: {  	s2 =	sld [smem:$0x3FD0];
	(tm) =	ssettm $0x1  }
0x91: {  	s18 =	sld [smem:$0x3FFB];
	_ =	sdelay $0x3  }
0x92: {  	_ =	strace s18  }
0x93: {  	s3 =	sld [smem:$0x3FFC];
	_ =	sdelay $0x3  }
0x94: {  	_ =	strace s3  }
0x95: {  	s3 =	sld [smem:$0x3FFD];
	_ =	sdelay $0x3  }
0x96: {  	_ =	strace s3  }
0x97: {  	_ =	strace $0x8FFFFFFF  }
0x98: {  	s19 =	sld [smem:$0x3FDB];
	_ =	sdelay $0x1  }
0x99: {  	s4 =	simm.s32 $_scs_section_size  }
0x9a: {  	s5 =	simm.s32 $_size__tile_overlayer_lowered;
	s6 =	simm.s32 $_tile_overlayer_lowered  }
0x9b: {  	s22 =	simm.s32 $0x1BFF;
	s21 =	sshll.u32 s6, $0x1;
	s3 =	sadd.s32 s4, s19  }
0x9c: {  	s7 =	simm.s32 $0x0;
	s20 =	sshll.u32 s5, $0x1;
	s5 =	sadd.s32 s21, s3  }
0x9d: {  	[timem:s7], [sflag:s22] =	dma.local [hbm:s5], s20  }
0x9e: {  	_ =	swait.ge [sflag:s22], s20  }
0x9f: {  	s4 =	ssub.s32 $0x0, s20;
	[sflag:s22] =	ssyncset.done $0x0  }
0xa0: {  	[sflag:s22] =	ssyncadd.s32 s4;
	_ =	sdelay $0x1  }
0xa1: {  	s23 =	simm.s32 $0x1B8B  }
0xa2: {  	_ =	swait.ge [sflag:s23], $0x1  }
0xa3: {  	[sflag:s23] =	ssyncset.done $0x0  }
0xa4: {  	s25 =	simm.s32 $0x1B8E;
	s24 =	sld [smem:$0x3FFE];
	[sflag:s23] =	ssyncadd.s32 $0xFFFFFFFF  }
0xa5: {  	s26 =	simm.s32 $execute0_lowered;
	[smem:$0x3FD2] =	sst s25  }
0xa6: {  	s5 =	sshll.u32 s26, $0x1;
	_ =	strace $0x80000046;
	[dreg:$0x1] =	wrdreg $0xFFFFFFFF  }
0xa7: {  	s28 =	simm.s32 $_size_execute0_lowered;
	s3 =	sadd.s32 s3, s5;
	[dreg:$0x0] =	wrdreg $0x0  }
0xa8: {  	s5 =	sshll.u32 s28, $0x1;
	[dreg:$0x2] =	wrdreg s3  }
0xa9: {  	[dreg:$0x3] =	wrdreg s5  }
0xaa: {  	[dreg:$0x4] =	wrdreg $0xC0  }
0xab: {  	_ =	task [dreg:s7], $0x5FFFF  }
0xac: {  	[dreg:$0x1] =	wrdreg $0xFFFFFFFF  }
0xad: {  	[dreg:$0x0] =	wrdreg $0x60  }
0xae: {  	[dreg:$0x2] =	wrdreg s24  }
0xaf: {  	[dreg:$0x3] =	wrdreg s2  }
0xb0: {  	[dreg:$0x4] =	wrdreg $0x9  }
0xb1: {  	_ =	task.clear_ibuf [dreg:s7], $0x5FFFF;
	_ =	strace $0x90000046  }
0xb2: {  	s29 =	simm.s32 $0x9;
	_ =	strace $0x80000048  }
0xb3: {  	_ =	swait.ge [sflag:s29], $0x1  }
0xb4: {  	[sflag:s29] =	ssyncadd.s32 $0xFFFFFFFF  }
0xb5: {  	_ =	strace $0x90000048  }
0xb6: {  	_ =	sfence  }
0xb7: {  	s30 =	sld [smem:$0x0];
	_ =	sdelay $0x2  }
0xb8: {  	s31 =	sshll.u32 s1, $0xD;
	s1 =	sshrl.u32 s1, $0x2  }
0xb9: {  	s3 =	sand.u32 $0x4000, s31;
	s1 =	sadd.s32 s1, s30  }
0xba: {  	s0 =	sor.u32 s3, s0;
	s1 =	sshll.u32 s1, $0x11  }
0xbb: {  	s0 =	sor.u32 s1, s0  }
0xbc: {  	s0 =	sadd.s32 $0x8F2B, s0  }
0xbd: {  	[sflag:s0] =	ssyncadd.remote.s32 $0x1  }
0xbe: {  	_ =	sfence.sel $0xFFFF  }
0xbf: {  	[dreg:$0x0] =	wrdreg $0xFFFFFFFF;
	(pc) =	sbr.abs _section_cstart, $3  }
0xc0: {  	[dreg:$0x1] =	wrdreg $0xFFFFFFFF  }
0xc1: {  	_ =	task.clear_ibuf [dreg:s7], $0x2FFFF;
	_ =	strace $0x9FFFFFFF  }
0xc2: {  	(tm) =	ssettm $0x7FFFFFFF  }
0xc3: {  	_ =	shalt  }
tec
execute0_lowered:
.L_overlay_start_1:
0x0: {  	(tag) =	ssettag $0x1  }
0x1: {  	s0 =	rddreg [dreg:$0x0]  }
0x2: {  	s2 =	rddreg [dreg:$0x1]  }
0x3: {  	s4 =	srdreg.scid;
	s1 =	stileid.u32;
	s3 =	simm.s32 $0x0  }
0x4: {  	s9 =	simm.s32 $0x80;
	s10 =	simm.s32 $0x1000;
	s11 =	simm.s32 $0x5  }
0x5: {  	s12 =	simm.s32 $0x200;
	s13 =	simm.s32 $0x6400;
	s14 =	simm.s32 $0xC800  }
0x6: {  	s15 =	simm.s32 $0x6600;
	s16 =	simm.s32 $0x10800;
	s17 =	simm.s32 $0x1  }
0x7: {  	s18 =	simm.s32 $0x400;
	s19 =	simm.s32 $0x8000;
	s20 =	simm.s32 $0x14800  }
0x8: {  	s21 =	simm.s32 $0x2;
	s22 =	simm.s32 $0x4;
	s23 =	simm.s32 $0x18800  }
0x9: {  	v0 =	vlaneseq.u32;
	s24 =	simm.s32 $0x3;
	s25 =	simm.s32 $0x0;
	s4 =	sand.u32 $0x1, s4  }
.Ltmp0:
0xa: {  	s5 =	sshll.u32 s1, $0x1;
	[smem:$0x7FF] =	sst s3;
	v0 =	vmul.u32 $0x20, v0;
	(pc) =	sbr.rel .LBB2_1-.Ltmp0, $4  }
0xb: {  	v8 =	vimm.s32 $0x0;
	vm0 =	vcmask $0x300;
	s6 =	sor.u32 s4, s5;
	s29 =	ssub.s32 $0x2, s4;
	_ =	strace $0x80000047  }
0xc: {  	v8 =	vsel vm0, $0x3, v8;
	s4 =	sadd.s32 $0xF42A00, s0;
	s30 =	sshll.u32 s6, $0x4;
	s7 =	sshrl.u32 s29, $0x1;
	v1 =	vor.u32 $0xE00, v0  }
0xd: {  	s6 =	sshll.u32 s6, $0x7;
	v2 =	vor.u32 $0xC00, v0;
	v3 =	vor.u32 $0xA00, v0;
	v4 =	vor.u32 $0x800, v0;
	s8 =	sadd.s32 s30, s0;
	s31 =	ssub.s32 s29, s7  }
0xe: {  	v5 =	vor.u32 $0x600, v0;
	v6 =	vor.u32 $0x400, v0;
	v7 =	vor.u32 $0x200, v0;
	s7 =	sadd.s32 $0x10000, s2;
	s5 =	sadd.s32 $0x600, s8;
	s8 =	smax.u32 s31, $0x1  }
.LBB2_14:
0xf: {  	s25 =	sadd.s32 $0x1, s25  }
0x10: {  	_ =	swait.ge [sflag:s24], $0x4000;
	p0 =	sne.s32 s25, s8  }
.Ltmp1:
0x11: {  	[sflag:s24] =	ssyncset.done $0x0;
	(pc) =	sbr.rel @!p0 .LBB2_15-.Ltmp1, $4  }
0x12: {  	[sflag:s24] =	ssyncadd.s32 $0xFFFFC000  }
0x13: {  	_ =	swait.ge [sflag:s22], $0x4000  }
0x14: {  	[sflag:s22] =	ssyncset.done $0x0  }
0x15: {  	[sflag:s22] =	ssyncadd.s32 $0xFFFFC000  }
.LBB2_1:
0x16: {  	[tilespmem:s3], [sflag:$0x5] =	stream.strided.gather [hbm4b:s5+s9], $0x6400, s10, s9, $0x38;
	[tilespmem:$0x1C800] =	vst v63  }
0x17: {  	_ =	swait.ge [sflag:s11], $0x6400  }
0x18: {  	[sflag:s11] =	ssyncset.done $0x0  }
0x19: {  	[sflag:s11] =	ssyncadd.s32 $0xFFFF9C00  }
0x1a: {  	v9 =	vld [tilespmem:s12+$0x180]  }
0x1b: {  	v10 =	vld [tilespmem:s12+$0xFFFFFE80]  }
0x1c: {  	v11 =	vld [tilespmem:s12+$0xFFFFFF00]  }
0x1d: {  	v12 =	vld [tilespmem:s12+$0xFFFFFF80]  }
0x1e: {  	v13 =	vld [tilespmem:s12+$0x0]  }
0x1f: {  	v14 =	vld [tilespmem:s12+$0x80];
	[tilespmem:s15+$0x180] =	vst v9  }
0x20: {  	[tilespmem:s15+$0xFFFFFE80] =	vst v10;
	v10 =	vld [tilespmem:s12+$0x100]  }
0x21: {  	[tilespmem:s15+$0xFFFFFF00] =	vst v11;
	v11 =	vld [tilespmem:s12+$0xFFFFFE00]  }
0x22: {  	[tilespmem:s15+$0xFFFFFF80] =	vst v12;
	v9 =	vld [tilespmem:s12+$0x190]  }
0x23: {  	[tilespmem:s15+$0x0] =	vst v13;
	v12 =	vld [tilespmem:s12+$0xFFFFFE90]  }
0x24: {  	[tilespmem:s15+$0x80] =	vst v14;
	v13 =	vld [tilespmem:s12+$0xFFFFFF10]  }
0x25: {  	v14 =	vld [tilespmem:s12+$0xFFFFFF90];
	[tilespmem:s15+$0x100] =	vst v10  }
0x26: {  	[tilespmem:s15+$0xFFFFFE00] =	vst v11;
	v10 =	vld [tilespmem:s12+$0x10]  }
0x27: {  	[tilespmem:s15+$0x190] =	vst v9;
	v11 =	vld [tilespmem:s12+$0xFFFFFE10]  }
0x28: {  	[tilespmem:s15+$0xFFFFFE90] =	vst v12;
	v12 =	vld [tilespmem:s12+$0x90]  }
0x29: {  	[tilespmem:s15+$0xFFFFFF10] =	vst v13;
	v9 =	vld [tilespmem:s12+$0x1A0]  }
0x2a: {  	[tilespmem:s15+$0xFFFFFF90] =	vst v14;
	v13 =	vld [tilespmem:s12+$0x110]  }
0x2b: {  	v14 =	vld [tilespmem:s12+$0xFFFFFEA0];
	[tilespmem:s15+$0x10] =	vst v10  }
0x2c: {  	v10 =	vld [tilespmem:s12+$0xFFFFFF20];
	[tilespmem:s15+$0xFFFFFE10] =	vst v11  }
0x2d: {  	[tilespmem:s15+$0x90] =	vst v12;
	v12 =	vld [tilespmem:s12+$0xFFFFFFA0]  }
0x2e: {  	[tilespmem:s15+$0x1A0] =	vst v9;
	v11 =	vld [tilespmem:s12+$0xFFFFFE20]  }
0x2f: {  	[tilespmem:s15+$0x110] =	vst v13;
	v9 =	vld [tilespmem:s12+$0x1B0]  }
0x30: {  	v13 =	vld [tilespmem:s12+$0x20];
	[tilespmem:s15+$0xFFFFFEA0] =	vst v14  }
0x31: {  	v14 =	vld [tilespmem:s12+$0xA0];
	[tilespmem:s15+$0xFFFFFF20] =	vst v10  }
0x32: {  	v10 =	vld [tilespmem:s12+$0x120];
	[tilespmem:s15+$0xFFFFFFA0] =	vst v12  }
0x33: {  	v12 =	vld [tilespmem:s12+$0xFFFFFEB0];
	[tilespmem:s15+$0xFFFFFE20] =	vst v11  }
0x34: {  	[tilespmem:s15+$0x1B0] =	vst v9;
	v11 =	vld [tilespmem:s12+$0xFFFFFE30]  }
0x35: {  	[tilespmem:s15+$0x20] =	vst v13;
	v9 =	vld [tilespmem:s12+$0x1C0]  }
0x36: {  	v13 =	vld [tilespmem:s12+$0xFFFFFF30];
	[tilespmem:s15+$0xA0] =	vst v14  }
0x37: {  	v14 =	vld [tilespmem:s12+$0xFFFFFFB0];
	[tilespmem:s15+$0x120] =	vst v10  }
0x38: {  	v10 =	vld [tilespmem:s12+$0x30];
	[tilespmem:s15+$0xFFFFFEB0] =	vst v12  }
0x39: {  	v12 =	vld [tilespmem:s12+$0x130];
	[tilespmem:s15+$0xFFFFFE30] =	vst v11  }
0x3a: {  	v11 =	vld [tilespmem:s12+$0xB0];
	[tilespmem:s15+$0x1C0] =	vst v9  }
0x3b: {  	[tilespmem:s15+$0xFFFFFF30] =	vst v13;
	v9 =	vld [tilespmem:s12+$0x1D0]  }
0x3c: {  	[tilespmem:s15+$0xFFFFFFB0] =	vst v14;
	v14 =	vld [tilespmem:s12+$0xFFFFFEC0]  }
0x3d: {  	v13 =	vld [tilespmem:s12+$0xFFFFFE40];
	[tilespmem:s15+$0x30] =	vst v10  }
0x3e: {  	v10 =	vld [tilespmem:s12+$0xFFFFFF40];
	[tilespmem:s15+$0x130] =	vst v12  }
0x3f: {  	v12 =	vld [tilespmem:s12+$0x40];
	[tilespmem:s15+$0xB0] =	vst v11  }
0x40: {  	v11 =	vld [tilespmem:s12+$0xFFFFFFC0];
	[tilespmem:s15+$0x1D0] =	vst v9  }
0x41: {  	[tilespmem:s15+$0xFFFFFEC0] =	vst v14;
	v9 =	vld [tilespmem:s12+$0x1E0]  }
0x42: {  	v14 =	vld [tilespmem:s12+$0x140];
	[tilespmem:s15+$0xFFFFFE40] =	vst v13  }
0x43: {  	v13 =	vld [tilespmem:s12+$0xC0];
	[tilespmem:s15+$0xFFFFFF40] =	vst v10  }
0x44: {  	v10 =	vld [tilespmem:s12+$0xFFFFFE50];
	[tilespmem:s15+$0x40] =	vst v12  }
0x45: {  	[tilespmem:s15+$0xFFFFFFC0] =	vst v11;
	v11 =	vld [tilespmem:s12+$0xFFFFFED0]  }
0x46: {  	v12 =	vld [tilespmem:s12+$0xFFFFFF50];
	[tilespmem:s15+$0x1E0] =	vst v9  }
0x47: {  	[tilespmem:s15+$0x140] =	vst v14;
	v9 =	vld [tilespmem:s12+$0x1F0]  }
0x48: {  	v14 =	vld [tilespmem:s12+$0x50];
	[tilespmem:s15+$0xC0] =	vst v13  }
0x49: {  	v13 =	vld [tilespmem:s12+$0xFFFFFFD0];
	[tilespmem:s15+$0xFFFFFE50] =	vst v10  }
0x4a: {  	v10 =	vld [tilespmem:s12+$0x150];
	[tilespmem:s15+$0xFFFFFED0] =	vst v11  }
0x4b: {  	[tilespmem:s15+$0xFFFFFF50] =	vst v12;
	v12 =	vld [tilespmem:s12+$0xFFFFFEE0]  }
0x4c: {  	[tilespmem:s15+$0x1F0] =	vst v9;
	v9 =	vld [tilespmem:s12+$0xD0]  }
0x4d: {  	[tilespmem:s15+$0x50] =	vst v14;
	v11 =	vld [tilespmem:s12+$0xFFFFFE60]  }
0x4e: {  	v15 =	vld [tilespmem:s12+$0x60];
	[tilespmem:s15+$0xFFFFFFD0] =	vst v13  }
0x4f: {  	v13 =	vld [tilespmem:s12+$0xFFFFFF60];
	[tilespmem:s15+$0x150] =	vst v10  }
0x50: {  	v14 =	vld [tilespmem:s12+$0xFFFFFFE0];
	[tilespmem:s15+$0xFFFFFEE0] =	vst v12  }
0x51: {  	v12 =	vld [tilespmem:s12+$0x160];
	[tilespmem:s15+$0xD0] =	vst v9  }
0x52: {  	[tilespmem:s15+$0xFFFFFE60] =	vst v11;
	v11 =	vld [tilespmem:s12+$0xE0]  }
0x53: {  	[tilespmem:s15+$0x60] =	vst v15;
	v16 =	vld [tilespmem:s12+$0xFFFFFE70]  }
0x54: {  	[tilespmem:s15+$0xFFFFFF60] =	vst v13;
	v13 =	vld [tilespmem:s12+$0xFFFFFEF0]  }
0x55: {  	[tilespmem:s15+$0xFFFFFFE0] =	vst v14;
	v9 =	vld [tilespmem:s12+$0xFFFFFF70]  }
0x56: {  	v10 =	vld [tilespmem:s12+$0xFFFFFFF0];
	[tilespmem:s15+$0x160] =	vst v12  }
0x57: {  	[tilespmem:s15+$0xE0] =	vst v11;
	v11 =	vld [tilespmem:s12+$0x70]  }
0x58: {  	[tilespmem:s15+$0xFFFFFE70] =	vst v16;
	v12 =	vld [tilespmem:s12+$0xF0]  }
0x59: {  	s28 =	simm.s32 $0x0;
	s29 =	simm.s32 $0x600;
	s26 =	simm.s32 $0x6600;
	[tilespmem:s15+$0xFFFFFEF0] =	vst v13;
	v13 =	vld [tilespmem:s12+$0x170]  }
.LBB2_2:
0x5a: {  	v14 =	vld [tilespmem:s29+$0x180];
	s28 =	sadd.s32 $0x8, s28;
	[tilespmem:s26+$0xFFFFFF70] =	vst v9  }
0x5b: {  	v9 =	vld [tilespmem:s29+$0xFFFFFE80];
	p0 =	slt.u32 s28, $0xC0;
	[tilespmem:s26+$0xFFFFFFF0] =	vst v10  }
0x5c: {  	v10 =	vld [tilespmem:s29+$0xFFFFFF00];
	[tilespmem:s26+$0x70] =	vst v11  }
0x5d: {  	v11 =	vld [tilespmem:s29+$0xFFFFFF80];
	[tilespmem:s26+$0xF0] =	vst v12  }
0x5e: {  	v12 =	vld [tilespmem:s29+$0x0];
	[tilespmem:s26+$0x170] =	vst v13;
	s26 =	sadd.s32 $0x400, s26  }
0x5f: {  	v13 =	vld [tilespmem:s29+$0x80];
	[tilespmem:s26+$0x180] =	vst v14  }
0x60: {  	[tilespmem:s26+$0xFFFFFE80] =	vst v9;
	v9 =	vld [tilespmem:s29+$0x190]  }
0x61: {  	[tilespmem:s26+$0xFFFFFF00] =	vst v10;
	v10 =	vld [tilespmem:s29+$0x100]  }
0x62: {  	v14 =	vld [tilespmem:s29+$0xFFFFFE00];
	[tilespmem:s26+$0xFFFFFF80] =	vst v11  }
0x63: {  	v11 =	vld [tilespmem:s29+$0xFFFFFE90];
	[tilespmem:s26+$0x0] =	vst v12  }
0x64: {  	v12 =	vld [tilespmem:s29+$0xFFFFFF10];
	[tilespmem:s26+$0x80] =	vst v13  }
0x65: {  	v13 =	vld [tilespmem:s29+$0xFFFFFF90];
	[tilespmem:s26+$0x190] =	vst v9  }
0x66: {  	[tilespmem:s26+$0x100] =	vst v10;
	v9 =	vld [tilespmem:s29+$0x1A0]  }
0x67: {  	[tilespmem:s26+$0xFFFFFE00] =	vst v14;
	v10 =	vld [tilespmem:s29+$0x10]  }
0x68: {  	v14 =	vld [tilespmem:s29+$0xFFFFFE10];
	[tilespmem:s26+$0xFFFFFE90] =	vst v11  }
0x69: {  	[tilespmem:s26+$0xFFFFFF10] =	vst v12;
	v11 =	vld [tilespmem:s29+$0x90]  }
0x6a: {  	[tilespmem:s26+$0xFFFFFF90] =	vst v13;
	v12 =	vld [tilespmem:s29+$0x110]  }
0x6b: {  	v13 =	vld [tilespmem:s29+$0xFFFFFEA0];
	[tilespmem:s26+$0x1A0] =	vst v9  }
0x6c: {  	[tilespmem:s26+$0x10] =	vst v10;
	v9 =	vld [tilespmem:s29+$0x1B0]  }
0x6d: {  	[tilespmem:s26+$0xFFFFFE10] =	vst v14;
	v10 =	vld [tilespmem:s29+$0xFFFFFF20]  }
0x6e: {  	v14 =	vld [tilespmem:s29+$0xFFFFFE20];
	[tilespmem:s26+$0x90] =	vst v11  }
0x6f: {  	v11 =	vld [tilespmem:s29+$0xFFFFFFA0];
	[tilespmem:s26+$0x110] =	vst v12  }
0x70: {  	[tilespmem:s26+$0xFFFFFEA0] =	vst v13;
	v12 =	vld [tilespmem:s29+$0x20]  }
0x71: {  	v13 =	vld [tilespmem:s29+$0xA0];
	[tilespmem:s26+$0x1B0] =	vst v9  }
0x72: {  	[tilespmem:s26+$0xFFFFFF20] =	vst v10;
	v9 =	vld [tilespmem:s29+$0x1C0]  }
0x73: {  	[tilespmem:s26+$0xFFFFFE20] =	vst v14;
	v10 =	vld [tilespmem:s29+$0x120]  }
0x74: {  	v14 =	vld [tilespmem:s29+$0xFFFFFE30];
	[tilespmem:s26+$0xFFFFFFA0] =	vst v11  }
0x75: {  	v11 =	vld [tilespmem:s29+$0xFFFFFEB0];
	[tilespmem:s26+$0x20] =	vst v12  }
0x76: {  	v12 =	vld [tilespmem:s29+$0xFFFFFF30];
	[tilespmem:s26+$0xA0] =	vst v13  }
0x77: {  	v13 =	vld [tilespmem:s29+$0xFFFFFFB0];
	[tilespmem:s26+$0x1C0] =	vst v9  }
0x78: {  	[tilespmem:s26+$0x120] =	vst v10;
	v9 =	vld [tilespmem:s29+$0x1D0]  }
0x79: {  	[tilespmem:s26+$0xFFFFFE30] =	vst v14;
	v10 =	vld [tilespmem:s29+$0x30]  }
0x7a: {  	[tilespmem:s26+$0xFFFFFEB0] =	vst v11;
	v11 =	vld [tilespmem:s29+$0xB0]  }
0x7b: {  	[tilespmem:s26+$0xFFFFFF30] =	vst v12;
	v12 =	vld [tilespmem:s29+$0x130]  }
0x7c: {  	v14 =	vld [tilespmem:s29+$0xFFFFFE40];
	[tilespmem:s26+$0xFFFFFFB0] =	vst v13  }
0x7d: {  	v13 =	vld [tilespmem:s29+$0xFFFFFEC0];
	[tilespmem:s26+$0x1D0] =	vst v9  }
0x7e: {  	[tilespmem:s26+$0x30] =	vst v10;
	v9 =	vld [tilespmem:s29+$0x1E0]  }
0x7f: {  	v10 =	vld [tilespmem:s29+$0xFFFFFF40];
	[tilespmem:s26+$0xB0] =	vst v11  }
0x80: {  	v11 =	vld [tilespmem:s29+$0xFFFFFFC0];
	[tilespmem:s26+$0x130] =	vst v12  }
0x81: {  	[tilespmem:s26+$0xFFFFFE40] =	vst v14;
	v12 =	vld [tilespmem:s29+$0x40]  }
0x82: {  	[tilespmem:s26+$0xFFFFFEC0] =	vst v13;
	v13 =	vld [tilespmem:s29+$0xC0]  }
0x83: {  	v14 =	vld [tilespmem:s29+$0x140];
	[tilespmem:s26+$0x1E0] =	vst v9  }
0x84: {  	[tilespmem:s26+$0xFFFFFF40] =	vst v10;
	v9 =	vld [tilespmem:s29+$0x1F0]  }
0x85: {  	v10 =	vld [tilespmem:s29+$0xFFFFFE50];
	[tilespmem:s26+$0xFFFFFFC0] =	vst v11  }
0x86: {  	v11 =	vld [tilespmem:s29+$0xFFFFFED0];
	[tilespmem:s26+$0x40] =	vst v12  }
0x87: {  	v12 =	vld [tilespmem:s29+$0xFFFFFF50];
	[tilespmem:s26+$0xC0] =	vst v13  }
0x88: {  	v13 =	vld [tilespmem:s29+$0xFFFFFFD0];
	[tilespmem:s26+$0x140] =	vst v14  }
0x89: {  	v14 =	vld [tilespmem:s29+$0x50];
	[tilespmem:s26+$0x1F0] =	vst v9  }
0x8a: {  	[tilespmem:s26+$0xFFFFFE50] =	vst v10;
	v9 =	vld [tilespmem:s29+$0xD0]  }
0x8b: {  	[tilespmem:s26+$0xFFFFFED0] =	vst v11;
	v10 =	vld [tilespmem:s29+$0x150]  }
0x8c: {  	v11 =	vld [tilespmem:s29+$0xFFFFFE60];
	[tilespmem:s26+$0xFFFFFF50] =	vst v12  }
0x8d: {  	v12 =	vld [tilespmem:s29+$0xFFFFFEE0];
	[tilespmem:s26+$0xFFFFFFD0] =	vst v13  }
0x8e: {  	v13 =	vld [tilespmem:s29+$0xFFFFFF60];
	[tilespmem:s26+$0x50] =	vst v14  }
0x8f: {  	v14 =	vld [tilespmem:s29+$0xFFFFFFE0];
	[tilespmem:s26+$0xD0] =	vst v9  }
0x90: {  	v15 =	vld [tilespmem:s29+$0x60];
	[tilespmem:s26+$0x150] =	vst v10  }
0x91: {  	[tilespmem:s26+$0xFFFFFE60] =	vst v11;
	v11 =	vld [tilespmem:s29+$0xE0]  }
0x92: {  	[tilespmem:s26+$0xFFFFFEE0] =	vst v12;
	v12 =	vld [tilespmem:s29+$0x160]  }
0x93: {  	v16 =	vld [tilespmem:s29+$0xFFFFFE70];
	[tilespmem:s26+$0xFFFFFF60] =	vst v13  }
0x94: {  	v13 =	vld [tilespmem:s29+$0xFFFFFEF0];
	[tilespmem:s26+$0xFFFFFFE0] =	vst v14  }
.Ltmp2:
0x95: {  	v9 =	vld [tilespmem:s29+$0xFFFFFF70];
	[tilespmem:s26+$0x60] =	vst v15;
	(pc) =	sbr.rel @p0 .LBB2_2-.Ltmp2, $4  }
0x96: {  	v10 =	vld [tilespmem:s29+$0xFFFFFFF0];
	[tilespmem:s26+$0xE0] =	vst v11  }
0x97: {  	v11 =	vld [tilespmem:s29+$0x70];
	[tilespmem:s26+$0x160] =	vst v12  }
0x98: {  	[tilespmem:s26+$0xFFFFFE70] =	vst v16;
	v12 =	vld [tilespmem:s29+$0xF0]  }
0x99: {  	[tilespmem:s26+$0xFFFFFEF0] =	vst v13;
	v13 =	vld [tilespmem:s29+$0x170];
	s29 =	sadd.s32 $0x400, s29  }
0x9a: {  	[tilespmem:s26+$0xFFFFFF70] =	vst v9  }
0x9b: {  	[tilespmem:s26+$0xFFFFFFF0] =	vst v10  }
0x9c: {  	[tilespmem:s26+$0x70] =	vst v11  }
0x9d: {  	[tilespmem:s26+$0xF0] =	vst v12  }
0x9e: {  	[tilespmem:s26+$0x170] =	vst v13  }
0x9f: {  	[tilespmem:s14], [sflag:$0x1] =	stream.indirect.gather [hbm4b:s4+s12], $0x20, s13, s12, $0xb8;
	[tilespmem:$0x1C800] =	vst v63  }
0xa0: {  	s26 =	simm.s32 $0x0  }
0xa1: {  	[tilespmem:s16], [sflag:$0x2] =	stream.indirect.gather [hbm4b:s4+s12], $0x20, s15, s12, $0xb8;
	[tilespmem:$0x1C800] =	vst v63  }
.LBB2_4:
0xa2: {  	s29 =	simm.s32 $0x0  }
0xa3: {  	s0 =	sand.u32 $0x18, s29  }
0xa4: {  	v9 =	vmov s0  }
0xa5: {  	s28 =	simm.s32 $0x0;
	v9 =	vshrl.u32 v9, $0x3  }
0xa6: {  	s28 =	sand.u32 $0xFFFFFF80, s28;
	v16 =	vshll.u32 v9, v8  }
0xa7: {  	v9 =	vmov s28;
	v10 =	vor.u32 $0x7, v16  }
0xa8: {  	v17 =	vshll.u32 v9, $0x5;
	v9 =	vor.u32 $0x1, v16;
	v15 =	vbroadcast v10, $0x0  }
0xa9: {  	_ =	swait.ge [sflag:s17], $0x4000;
	v11 =	vor.u32 $0x3, v16;
	v18 =	vor.u32 v0, v17;
	v9 =	vbroadcast v9, $0x0  }
0xaa: {  	p0 =	seq.s32 s26, $0x0;
	[sflag:s17] =	ssyncset.done $0x0;
	v12 =	vor.u32 $0x4, v16;
	v11 =	vbroadcast v11, $0x0;
	v13 =	vor.u32 v18, v15  }
0xab: {  	[sflag:s17] =	ssyncadd.s32 $0xFFFFC000;
	s28 =	simm.s32 @!p0 $0x3;
	v10 =	vor.u32 $0x2, v16;
	v12 =	vbroadcast v12, $0x0;
	v19 =	vor.u32 v18, v9  }
0xac: {  	_ =	swait.ge @!p0 [sflag:s28], $0x4000;
	v14 =	vor.u32 $0x5, v16;
	v10 =	vbroadcast v10, $0x0;
	v22 =	vor.u32 v18, v11  }
0xad: {  	[sflag:s28] =	ssyncset.done @!p0 $0x0;
	v14 =	vbroadcast v14, $0x0;
	v23 =	vor.u32 v18, v12  }
0xae: {  	[sflag:s28] =	ssyncadd.s32 @!p0 $0xFFFFC000;
	v20 =	vor.u32 v18, v10  }
0xaf: {  	v21 =	vor.u32 $0x6, v16;
	v25 =	vor.u32 v7, v17;
	v26 =	vor.u32 v18, v14;
	v24 =	vld.idx.msk [tilespmem:v13+s14+$0x0], $0xffff  }
0xb0: {  	s28 =	simm.s32 $0x0;
	v13 =	vbroadcast v21, $0x0;
	v21 =	vor.u32 v25, v15;
	v19 =	vld.idx.msk [tilespmem:v19+s14+$0x0], $0xffff  }
0xb1: {  	s0 =	sshll.u32 s0, $0x7;
	v16 =	vbroadcast v16, $0x0;
	s28 =	sand.u32 $0x3FFFF000, s28;
	v28 =	vor.u32 v25, v9;
	v22 =	vld.idx.msk [tilespmem:v22+s14+$0x0], $0xffff  }
0xb2: {  	s0 =	sor.u32 s0, s28;
	v23 =	vld.idx.msk [tilespmem:v23+s14+$0x0], $0xffff;
	v27 =	vor.u32 v18, v13  }
0xb3: {  	s30 =	sadd.s32 $0x14800, s0;
	v20 =	vld.idx.msk [tilespmem:v20+s14+$0x0], $0xffff;
	v18 =	vor.u32 v16, v18  }
0xb4: {  	v29 =	vor.u32 v25, v11;
	v26 =	vld.idx.msk [tilespmem:v26+s14+$0x0], $0xffff;
	[tilespmem:s30+$0x380] =	vst v24  }
0xb5: {  	v31 =	vor.u32 v25, v12;
	[tilespmem:s30+$0x80] =	vst v19;
	v21 =	vld.idx.msk [tilespmem:v21+s14+$0x0], $0xffff  }
0xb6: {  	v30 =	vor.u32 v6, v17;
	v24 =	vor.u32 v25, v10;
	v28 =	vld.idx.msk [tilespmem:v28+s14+$0x0], $0xffff  }
0xb7: {  	[tilespmem:s30+$0x180] =	vst v22;
	v19 =	vld.idx.msk [tilespmem:v27+s14+$0x0], $0xffff;
	v27 =	vor.u32 v30, v15  }
0xb8: {  	[tilespmem:s30+$0x100] =	vst v20;
	v20 =	vor.u32 v25, v14;
	v18 =	vld.idx.msk [tilespmem:v18+s14+$0x0], $0xffff  }
0xb9: {  	v22 =	vor.u32 v25, v13;
	[tilespmem:s30+$0x200] =	vst v23;
	v23 =	vor.u32 v16, v25;
	v25 =	vld.idx.msk [tilespmem:v29+s14+$0x0], $0xffff  }
0xba: {  	[tilespmem:s30+$0x280] =	vst v26;
	v31 =	vld.idx.msk [tilespmem:v31+s14+$0x0], $0xffff  }
0xbb: {  	v24 =	vld.idx.msk [tilespmem:v24+s14+$0x0], $0xffff;
	[tilespmem:s30+$0x390] =	vst v21;
	v21 =	vor.u32 v30, v9  }
0xbc: {  	v26 =	vld.idx.msk [tilespmem:v27+s14+$0x0], $0xffff;
	v27 =	vor.u32 v30, v10;
	[tilespmem:s30+$0x300] =	vst v19  }
0xbd: {  	[tilespmem:s0+$0x14800] =	vst v18;
	v18 =	vld.idx.msk [tilespmem:v20+s14+$0x0], $0xffff;
	v20 =	vor.u32 v30, v11  }
0xbe: {  	v29 =	vor.u32 v5, v17;
	[tilespmem:s30+$0x90] =	vst v28;
	v28 =	vor.u32 v30, v12;
	v22 =	vld.idx.msk [tilespmem:v22+s14+$0x0], $0xffff  }
0xbf: {  	[tilespmem:s30+$0x190] =	vst v25;
	v19 =	vor.u32 v29, v15;
	v23 =	vld.idx.msk [tilespmem:v23+s14+$0x0], $0xffff  }
0xc0: {  	[tilespmem:s30+$0x110] =	vst v24;
	v24 =	vor.u32 v30, v14;
	v21 =	vld.idx.msk [tilespmem:v21+s14+$0x0], $0xffff  }
0xc1: {  	v25 =	vor.u32 v30, v13;
	[tilespmem:s30+$0x210] =	vst v31;
	v27 =	vld.idx.msk [tilespmem:v27+s14+$0x0], $0xffff  }
0xc2: {  	[tilespmem:s30+$0x3A0] =	vst v26;
	v26 =	vor.u32 v16, v30;
	v20 =	vld.idx.msk [tilespmem:v20+s14+$0x0], $0xffff  }
0xc3: {  	v30 =	vor.u32 v29, v9;
	[tilespmem:s30+$0x290] =	vst v18;
	v18 =	vld.idx.msk [tilespmem:v28+s14+$0x0], $0xffff  }
0xc4: {  	v31 =	vor.u32 v4, v17;
	v28 =	vor.u32 v29, v10;
	v19 =	vld.idx.msk [tilespmem:v19+s14+$0x0], $0xffff;
	[tilespmem:s30+$0x310] =	vst v22  }
0xc5: {  	v22 =	vor.u32 v31, v15;
	[tilespmem:s30+$0x10] =	vst v23;
	v23 =	vld.idx.msk [tilespmem:v24+s14+$0x0], $0xffff  }
0xc6: {  	v24 =	vor.u32 v29, v11;
	[tilespmem:s30+$0xA0] =	vst v21;
	v21 =	vld.idx.msk [tilespmem:v25+s14+$0x0], $0xffff  }
0xc7: {  	v25 =	vor.u32 v29, v12;
	v26 =	vld.idx.msk [tilespmem:v26+s14+$0x0], $0xffff;
	[tilespmem:s30+$0x120] =	vst v27  }
0xc8: {  	v27 =	vor.u32 v29, v14;
	v30 =	vld.idx.msk [tilespmem:v30+s14+$0x0], $0xffff;
	[tilespmem:s30+$0x1A0] =	vst v20  }
0xc9: {  	[tilespmem:s30+$0x3B0] =	vst v19;
	v19 =	vor.u32 v29, v13;
	v28 =	vld.idx.msk [tilespmem:v28+s14+$0x0], $0xffff  }
0xca: {  	[tilespmem:s30+$0x220] =	vst v18;
	v20 =	vld.idx.msk [tilespmem:v22+s14+$0x0], $0xffff;
	v22 =	vor.u32 v16, v29;
	v29 =	vor.u32 v3, v17  }
0xcb: {  	v18 =	vld.idx.msk [tilespmem:v24+s14+$0x0], $0xffff;
	[tilespmem:s30+$0x2A0] =	vst v23;
	v23 =	vor.u32 v29, v15  }
0xcc: {  	v24 =	vor.u32 v31, v9;
	v25 =	vld.idx.msk [tilespmem:v25+s14+$0x0], $0xffff;
	[tilespmem:s30+$0x320] =	vst v21  }
0xcd: {  	v21 =	vor.u32 v31, v10;
	[tilespmem:s30+$0x20] =	vst v26;
	v26 =	vld.idx.msk [tilespmem:v27+s14+$0x0], $0xffff  }
0xce: {  	v27 =	vor.u32 v31, v11;
	[tilespmem:s30+$0xB0] =	vst v30;
	v19 =	vld.idx.msk [tilespmem:v19+s14+$0x0], $0xffff  }
0xcf: {  	v30 =	vor.u32 v31, v12;
	v22 =	vld.idx.msk [tilespmem:v22+s14+$0x0], $0xffff;
	[tilespmem:s30+$0x3C0] =	vst v20  }
0xd0: {  	[tilespmem:s30+$0x130] =	vst v28;
	v20 =	vor.u32 v31, v14;
	v23 =	vld.idx.msk [tilespmem:v23+s14+$0x0], $0xffff  }
0xd1: {  	v32 =	vor.u32 v2, v17;
	v28 =	vor.u32 v31, v13;
	v24 =	vld.idx.msk [tilespmem:v24+s14+$0x0], $0xffff;
	[tilespmem:s30+$0x1B0] =	vst v18  }
0xd2: {  	v18 =	vld.idx.msk [tilespmem:v21+s14+$0x0], $0xffff;
	[tilespmem:s30+$0x230] =	vst v25;
	v21 =	vor.u32 v32, v15  }
0xd3: {  	v25 =	vor.u32 v16, v31;
	v27 =	vld.idx.msk [tilespmem:v27+s14+$0x0], $0xffff;
	[tilespmem:s30+$0x2B0] =	vst v26  }
0xd4: {  	v26 =	vor.u32 v29, v9;
	v30 =	vld.idx.msk [tilespmem:v30+s14+$0x0], $0xffff;
	[tilespmem:s30+$0x330] =	vst v19  }
0xd5: {  	v19 =	vor.u32 v29, v10;
	[tilespmem:s30+$0x30] =	vst v22;
	v20 =	vld.idx.msk [tilespmem:v20+s14+$0x0], $0xffff  }
0xd6: {  	v22 =	vor.u32 v29, v11;
	v31 =	vld.idx.msk [tilespmem:v28+s14+$0x0], $0xffff;
	[tilespmem:s30+$0x3D0] =	vst v23  }
0xd7: {  	v23 =	vor.u32 v29, v12;
	[tilespmem:s30+$0xC0] =	vst v24;
	v21 =	vld.idx.msk [tilespmem:v21+s14+$0x0], $0xffff  }
0xd8: {  	v24 =	vor.u32 v29, v14;
	v33 =	vld.idx.msk [tilespmem:v25+s14+$0x0], $0xffff;
	[tilespmem:s30+$0x140] =	vst v18  }
0xd9: {  	v17 =	vor.u32 v1, v17;
	v35 =	vor.u32 v29, v13;
	v18 =	vld.idx.msk [tilespmem:v26+s14+$0x0], $0xffff;
	[tilespmem:s30+$0x1C0] =	vst v27  }
0xda: {  	v37 =	vor.u32 v32, v9;
	v15 =	vor.u32 v17, v15;
	[tilespmem:s30+$0x240] =	vst v30;
	v36 =	vld.idx.msk [tilespmem:v19+s14+$0x0], $0xffff  }
0xdb: {  	v34 =	vor.u32 v16, v29;
	v28 =	vor.u32 v32, v10;
	v38 =	vld.idx.msk [tilespmem:v22+s14+$0x0], $0xffff;
	[tilespmem:s30+$0x2C0] =	vst v20  }
0xdc: {  	v25 =	vor.u32 v32, v13;
	v27 =	vor.u32 v32, v11;
	[tilespmem:s30+$0x340] =	vst v31;
	v29 =	vld.idx.msk [tilespmem:v23+s14+$0x0], $0xffff  }
0xdd: {  	v26 =	vor.u32 v32, v12;
	v19 =	vor.u32 v16, v32;
	v30 =	vld.idx.msk [tilespmem:v24+s14+$0x0], $0xffff;
	[tilespmem:s30+$0x3E0] =	vst v21  }
0xde: {  	v22 =	vor.u32 v32, v14;
	v20 =	vor.u32 v17, v11;
	v11 =	vld.idx.msk [tilespmem:v35+s14+$0x0], $0xffff;
	[tilespmem:s30+$0x40] =	vst v33  }
0xdf: {  	v23 =	vor.u32 v17, v9;
	v24 =	vor.u32 v17, v10;
	v31 =	vld.idx.msk [tilespmem:v15+s14+$0x0], $0xffff;
	[tilespmem:s30+$0xD0] =	vst v18  }
0xe0: {  	v21 =	vor.u32 v17, v12;
	v15 =	vor.u32 v17, v14;
	v10 =	vld.idx.msk [tilespmem:v34+s14+$0x0], $0xffff;
	[tilespmem:s30+$0x150] =	vst v36  }
0xe1: {  	s28 =	sshll.u32 s26, $0xC;
	v18 =	vor.u32 v16, v17;
	v17 =	vor.u32 v17, v13;
	v9 =	vld.idx.msk [tilespmem:v37+s14+$0x0], $0xffff;
	[tilespmem:s30+$0x1D0] =	vst v38  }
.LBB2_5:
0xe2: {  	s29 =	sadd.s32 $0x8, s29;
	v12 =	vld.idx.msk [tilespmem:v28+s14+$0x0], $0xffff;
	[tilespmem:s30+$0x250] =	vst v29  }
0xe3: {  	s31 =	sand.u32 $0x18, s29;
	p1 =	slt.u32 s29, $0x78;
	v13 =	vld.idx.msk [tilespmem:v27+s14+$0x0], $0xffff;
	[tilespmem:s30+$0x2D0] =	vst v30  }
0xe4: {  	v14 =	vmov s31;
	v16 =	vld.idx.msk [tilespmem:v26+s14+$0x0], $0xffff;
	[tilespmem:s30+$0x3F0] =	vst v31  }
0xe5: {  	s0 =	sshll.u32 s29, $0x2;
	v14 =	vshrl.u32 v14, $0x3;
	v22 =	vld.idx.msk [tilespmem:v22+s14+$0x0], $0xffff;
	[tilespmem:s30+$0x350] =	vst v11  }
0xe6: {  	s0 =	sand.u32 $0xFFFFFF80, s0;
	v26 =	vshll.u32 v14, v8;
	[tilespmem:s30+$0x50] =	vst v10;
	v11 =	vld.idx.msk [tilespmem:v25+s14+$0x0], $0xffff  }
0xe7: {  	v10 =	vmov s0;
	v14 =	vor.u32 $0x1, v26;
	v25 =	vor.u32 $0x7, v26;
	v19 =	vld.idx.msk [tilespmem:v19+s14+$0x0], $0xffff;
	[tilespmem:s30+$0xE0] =	vst v9  }
0xe8: {  	v10 =	vshll.u32 v10, $0x5;
	v27 =	vor.u32 $0x2, v26;
	v9 =	vbroadcast v25, $0x0;
	v23 =	vld.idx.msk [tilespmem:v23+s14+$0x0], $0xffff;
	[tilespmem:s30+$0x160] =	vst v12  }
0xe9: {  	v28 =	vor.u32 $0x3, v26;
	v29 =	vor.u32 $0x4, v26;
	v25 =	vor.u32 v0, v10;
	v24 =	vld.idx.msk [tilespmem:v24+s14+$0x0], $0xffff;
	[tilespmem:s30+$0x1E0] =	vst v13  }
0xea: {  	v30 =	vor.u32 $0x5, v26;
	v31 =	vor.u32 $0x6, v26;
	v32 =	vor.u32 v25, v9;
	v20 =	vld.idx.msk [tilespmem:v20+s14+$0x0], $0xffff;
	[tilespmem:s30+$0x260] =	vst v16  }
0xeb: {  	v12 =	vbroadcast v27, $0x0;
	v16 =	vbroadcast v14, $0x0;
	v21 =	vld.idx.msk [tilespmem:v21+s14+$0x0], $0xffff;
	[tilespmem:s30+$0x2E0] =	vst v22  }
0xec: {  	v13 =	vbroadcast v29, $0x0;
	v14 =	vbroadcast v28, $0x0;
	v22 =	vld.idx.msk [tilespmem:v15+s14+$0x0], $0xffff;
	[tilespmem:s30+$0x360] =	vst v11  }
0xed: {  	v27 =	vor.u32 v25, v16;
	v15 =	vbroadcast v30, $0x0;
	v11 =	vbroadcast v31, $0x0;
	[tilespmem:s30+$0x60] =	vst v19;
	v19 =	vld.idx.msk [tilespmem:v17+s14+$0x0], $0xffff  }
0xee: {  	v28 =	vor.u32 v25, v14;
	v17 =	vbroadcast v26, $0x0;
	v26 =	vor.u32 v25, v12;
	v18 =	vld.idx.msk [tilespmem:v18+s14+$0x0], $0xffff;
	[tilespmem:s30+$0xF0] =	vst v23  }
0xef: {  	v23 =	vor.u32 v25, v13;
	v29 =	vor.u32 v25, v15;
	v30 =	vor.u32 v25, v11;
	v31 =	vld.idx.msk [tilespmem:v32+s14+$0x0], $0xffff  }
0xf0: {  	v25 =	vor.u32 v17, v25;
	v32 =	vor.u32 v7, v10;
	[tilespmem:s30+$0x170] =	vst v24  }
0xf1: {  	s0 =	sshll.u32 s29, $0x7;
	v24 =	vor.u32 v32, v16;
	v33 =	vor.u32 v32, v12;
	v34 =	vor.u32 v32, v9;
	[tilespmem:s30+$0x1F0] =	vst v20  }
0xf2: {  	s31 =	sshll.u32 s31, $0x7;
	s0 =	sand.u32 $0x3FFFF000, s0;
	v35 =	vor.u32 v32, v13;
	v36 =	vor.u32 v32, v15;
	v20 =	vld.idx.msk [tilespmem:v27+s14+$0x0], $0xffff;
	v27 =	vor.u32 v32, v14  }
0xf3: {  	s0 =	sor.u32 s31, s0;
	v37 =	vor.u32 v17, v32;
	v32 =	vor.u32 v32, v11;
	v26 =	vld.idx.msk [tilespmem:v26+s14+$0x0], $0xffff;
	[tilespmem:s30+$0x270] =	vst v21  }
0xf4: {  	s31 =	sadd.s32 $0x14800, s0;
	v21 =	vld.idx.msk [tilespmem:v28+s14+$0x0], $0xffff;
	[tilespmem:s30+$0x2F0] =	vst v22  }
0xf5: {  	v22 =	vld.idx.msk [tilespmem:v23+s14+$0x0], $0xffff;
	[tilespmem:s31+$0x380] =	vst v31  }
0xf6: {  	v23 =	vld.idx.msk [tilespmem:v34+s14+$0x0], $0xffff;
	[tilespmem:s30+$0x370] =	vst v19  }
0xf7: {  	v19 =	vor.u32 v6, v10;
	v28 =	vld.idx.msk [tilespmem:v29+s14+$0x0], $0xffff;
	[tilespmem:s30+$0x70] =	vst v18;
	s30 =	smov.u32 s31  }
0xf8: {  	v18 =	vor.u32 v19, v16;
	v29 =	vor.u32 v19, v9;
	[tilespmem:s30+$0x80] =	vst v20;
	v20 =	vld.idx.msk [tilespmem:v30+s14+$0x0], $0xffff  }
0xf9: {  	v30 =	vor.u32 v19, v14;
	v25 =	vld.idx.msk [tilespmem:v25+s14+$0x0], $0xffff;
	[tilespmem:s30+$0x100] =	vst v26;
	v26 =	vor.u32 v19, v12  }
0xfa: {  	v31 =	vor.u32 v19, v15;
	v24 =	vld.idx.msk [tilespmem:v24+s14+$0x0], $0xffff;
	[tilespmem:s30+$0x180] =	vst v21;
	v21 =	vor.u32 v19, v13  }
0xfb: {  	v34 =	vor.u32 v17, v19;
	v19 =	vor.u32 v19, v11;
	v33 =	vld.idx.msk [tilespmem:v33+s14+$0x0], $0xffff;
	[tilespmem:s30+$0x200] =	vst v22  }
0xfc: {  	v22 =	vld.idx.msk [tilespmem:v27+s14+$0x0], $0xffff;
	[tilespmem:s30+$0x390] =	vst v23  }
0xfd: {  	[tilespmem:s30+$0x280] =	vst v28;
	v23 =	vld.idx.msk [tilespmem:v29+s14+$0x0], $0xffff  }
0xfe: {  	v27 =	vor.u32 v5, v10;
	v28 =	vld.idx.msk [tilespmem:v35+s14+$0x0], $0xffff;
	[tilespmem:s30+$0x300] =	vst v20  }
0xff: {  	v29 =	vor.u32 v27, v9;
	v20 =	vor.u32 v27, v16;
	[tilespmem:s0+$0x14800] =	vst v25;
	v25 =	vld.idx.msk [tilespmem:v36+s14+$0x0], $0xffff  }
0x100: {  	v35 =	vor.u32 v27, v14;
	[tilespmem:s30+$0x90] =	vst v24;
	v24 =	vor.u32 v27, v12;
	v32 =	vld.idx.msk [tilespmem:v32+s14+$0x0], $0xffff  }
0x101: {  	v36 =	vld.idx.msk [tilespmem:v37+s14+$0x0], $0xffff;
	[tilespmem:s30+$0x110] =	vst v33;
	v33 =	vor.u32 v27, v13;
	v37 =	vor.u32 v27, v15  }
0x102: {  	v38 =	vor.u32 v17, v27;
	v18 =	vld.idx.msk [tilespmem:v18+s14+$0x0], $0xffff;
	[tilespmem:s30+$0x190] =	vst v22;
	v22 =	vor.u32 v27, v11  }
0x103: {  	v26 =	vld.idx.msk [tilespmem:v26+s14+$0x0], $0xffff;
	[tilespmem:s30+$0x3A0] =	vst v23  }
0x104: {  	[tilespmem:s30+$0x210] =	vst v28;
	v23 =	vld.idx.msk [tilespmem:v29+s14+$0x0], $0xffff  }
0x105: {  	v27 =	vor.u32 v4, v10;
	v28 =	vld.idx.msk [tilespmem:v30+s14+$0x0], $0xffff;
	[tilespmem:s30+$0x290] =	vst v25  }
0x106: {  	v29 =	vor.u32 v27, v9;
	v25 =	vor.u32 v27, v16;
	v21 =	vld.idx.msk [tilespmem:v21+s14+$0x0], $0xffff;
	[tilespmem:s30+$0x310] =	vst v32  }
0x107: {  	v30 =	vor.u32 v27, v12;
	v32 =	vor.u32 v27, v14;
	[tilespmem:s30+$0x10] =	vst v36;
	v31 =	vld.idx.msk [tilespmem:v31+s14+$0x0], $0xffff  }
0x108: {  	v36 =	vor.u32 v27, v15;
	[tilespmem:s30+$0xA0] =	vst v18;
	v18 =	vor.u32 v27, v13;
	v19 =	vld.idx.msk [tilespmem:v19+s14+$0x0], $0xffff  }
0x109: {  	v39 =	vor.u32 v17, v27;
	v40 =	vor.u32 v27, v11;
	v34 =	vld.idx.msk [tilespmem:v34+s14+$0x0], $0xffff;
	[tilespmem:s30+$0x120] =	vst v26  }
0x10a: {  	v20 =	vld.idx.msk [tilespmem:v20+s14+$0x0], $0xffff;
	[tilespmem:s30+$0x3B0] =	vst v23  }
0x10b: {  	[tilespmem:s30+$0x1A0] =	vst v28;
	v23 =	vld.idx.msk [tilespmem:v29+s14+$0x0], $0xffff  }
0x10c: {  	v26 =	vor.u32 v3, v10;
	v24 =	vld.idx.msk [tilespmem:v24+s14+$0x0], $0xffff;
	[tilespmem:s30+$0x220] =	vst v21  }
0x10d: {  	v28 =	vor.u32 v26, v9;
	v21 =	vor.u32 v26, v16;
	v27 =	vld.idx.msk [tilespmem:v35+s14+$0x0], $0xffff;
	[tilespmem:s30+$0x2A0] =	vst v31  }
0x10e: {  	v29 =	vor.u32 v26, v12;
	v31 =	vor.u32 v26, v14;
	v33 =	vld.idx.msk [tilespmem:v33+s14+$0x0], $0xffff;
	[tilespmem:s30+$0x320] =	vst v19  }
0x10f: {  	v35 =	vor.u32 v26, v15;
	[tilespmem:s30+$0x20] =	vst v34;
	v34 =	vor.u32 v26, v13;
	v19 =	vld.idx.msk [tilespmem:v37+s14+$0x0], $0xffff  }
0x110: {  	v41 =	vor.u32 v26, v11;
	v37 =	vor.u32 v17, v26;
	[tilespmem:s30+$0xB0] =	vst v20;
	v20 =	vld.idx.msk [tilespmem:v22+s14+$0x0], $0xffff  }
0x111: {  	v38 =	vld.idx.msk [tilespmem:v38+s14+$0x0], $0xffff;
	[tilespmem:s30+$0x3C0] =	vst v23  }
0x112: {  	[tilespmem:s30+$0x130] =	vst v24;
	v23 =	vld.idx.msk [tilespmem:v28+s14+$0x0], $0xffff  }
0x113: {  	v24 =	vor.u32 v2, v10;
	v42 =	vld.idx.msk [tilespmem:v25+s14+$0x0], $0xffff;
	[tilespmem:s30+$0x1B0] =	vst v27  }
0x114: {  	v43 =	vor.u32 v24, v16;
	v30 =	vld.idx.msk [tilespmem:v30+s14+$0x0], $0xffff;
	[tilespmem:s30+$0x230] =	vst v33;
	v33 =	vor.u32 v24, v9  }
0x115: {  	v28 =	vor.u32 v24, v12;
	v27 =	vor.u32 v24, v14;
	v32 =	vld.idx.msk [tilespmem:v32+s14+$0x0], $0xffff;
	[tilespmem:s30+$0x2B0] =	vst v19  }
0x116: {  	v26 =	vor.u32 v24, v13;
	v22 =	vor.u32 v24, v15;
	v18 =	vld.idx.msk [tilespmem:v18+s14+$0x0], $0xffff;
	[tilespmem:s30+$0x330] =	vst v20  }
0x117: {  	v25 =	vor.u32 v24, v11;
	v19 =	vor.u32 v17, v24;
	[tilespmem:s30+$0x30] =	vst v38;
	v36 =	vld.idx.msk [tilespmem:v36+s14+$0x0], $0xffff  }
0x118: {  	v38 =	vld.idx.msk [tilespmem:v40+s14+$0x0], $0xffff;
	[tilespmem:s30+$0x3D0] =	vst v23  }
0x119: {  	[tilespmem:s30+$0xC0] =	vst v42;
	v33 =	vld.idx.msk [tilespmem:v33+s14+$0x0], $0xffff  }
0x11a: {  	v10 =	vor.u32 v1, v10;
	v39 =	vld.idx.msk [tilespmem:v39+s14+$0x0], $0xffff;
	[tilespmem:s30+$0x140] =	vst v30  }
0x11b: {  	v9 =	vor.u32 v10, v9;
	v23 =	vor.u32 v10, v16;
	v40 =	vld.idx.msk [tilespmem:v21+s14+$0x0], $0xffff;
	[tilespmem:s30+$0x1C0] =	vst v32  }
0x11c: {  	v24 =	vor.u32 v10, v12;
	v20 =	vor.u32 v10, v14;
	v16 =	vld.idx.msk [tilespmem:v29+s14+$0x0], $0xffff;
	[tilespmem:s30+$0x240] =	vst v18  }
0x11d: {  	v15 =	vor.u32 v10, v15;
	v21 =	vor.u32 v10, v13;
	v12 =	vld.idx.msk [tilespmem:v31+s14+$0x0], $0xffff;
	[tilespmem:s30+$0x2C0] =	vst v36  }
0x11e: {  	v18 =	vor.u32 v17, v10;
	v17 =	vor.u32 v10, v11;
	v29 =	vld.idx.msk [tilespmem:v34+s14+$0x0], $0xffff;
	[tilespmem:s30+$0x340] =	vst v38  }
.Ltmp3:
0x11f: {  	v30 =	vld.idx.msk [tilespmem:v35+s14+$0x0], $0xffff;
	[tilespmem:s30+$0x3E0] =	vst v33;
	(pc) =	sbr.rel @p1 .LBB2_5-.Ltmp3, $4  }
0x120: {  	[tilespmem:s30+$0x40] =	vst v39;
	v31 =	vld.idx.msk [tilespmem:v9+s14+$0x0], $0xffff  }
0x121: {  	[tilespmem:s30+$0xD0] =	vst v40;
	v11 =	vld.idx.msk [tilespmem:v41+s14+$0x0], $0xffff  }
0x122: {  	v10 =	vld.idx.msk [tilespmem:v37+s14+$0x0], $0xffff;
	[tilespmem:s30+$0x150] =	vst v16  }
0x123: {  	v9 =	vld.idx.msk [tilespmem:v43+s14+$0x0], $0xffff;
	[tilespmem:s30+$0x1D0] =	vst v12  }
0x124: {  	_ =	sdelay $0x2  }
0x125: {  	[tilespmem:s30+$0x250] =	vst v29  }
0x126: {  	v12 =	vld.idx.msk [tilespmem:v28+s14+$0x0], $0xffff;
	[tilespmem:s30+$0x2D0] =	vst v30  }
0x127: {  	v13 =	vld.idx.msk [tilespmem:v27+s14+$0x0], $0xffff;
	[tilespmem:s30+$0x3F0] =	vst v31  }
0x128: {  	v14 =	vld.idx.msk [tilespmem:v26+s14+$0x0], $0xffff;
	[tilespmem:s30+$0x350] =	vst v11  }
0x129: {  	v11 =	vld.idx.msk [tilespmem:v22+s14+$0x0], $0xffff;
	[tilespmem:s30+$0x50] =	vst v10  }
0x12a: {  	v10 =	vld.idx.msk [tilespmem:v25+s14+$0x0], $0xffff;
	[tilespmem:s30+$0xE0] =	vst v9  }
0x12b: {  	v9 =	vld.idx.msk [tilespmem:v19+s14+$0x0], $0xffff;
	[tilespmem:s30+$0x160] =	vst v12  }
0x12c: {  	v60 =	vld.idx.msk [tilespmem:v23+s14+$0x0], $0xffff;
	[tilespmem:s30+$0x1E0] =	vst v13  }
0x12d: {  	v61 =	vld.idx.msk [tilespmem:v24+s14+$0x0], $0xffff;
	[tilespmem:s30+$0x260] =	vst v14  }
0x12e: {  	v62 =	vld.idx.msk [tilespmem:v20+s14+$0x0], $0xffff;
	[tilespmem:s30+$0x2E0] =	vst v11  }
0x12f: {  	v11 =	vld.idx.msk [tilespmem:v21+s14+$0x0], $0xffff;
	[tilespmem:s30+$0x360] =	vst v10  }
0x130: {  	v10 =	vld.idx.msk [tilespmem:v15+s14+$0x0], $0xffff;
	[tilespmem:s30+$0x60] =	vst v9  }
0x131: {  	v9 =	vld.idx.msk [tilespmem:v17+s14+$0x0], $0xffff;
	[tilespmem:s30+$0xF0] =	vst v60  }
0x132: {  	v63 =	vld.idx.msk [tilespmem:v18+s14+$0x0], $0xffff;
	[tilespmem:s30+$0x170] =	vst v61  }
0x133: {  	p1 =	sne.s32 s26, $0x18;
	[tilespmem:s30+$0x1F0] =	vst v62  }
.Ltmp4:
0x134: {  	[tilespmem:s30+$0x270] =	vst v11;
	(pc) =	sbr.rel @p1 .LBB2_8-.Ltmp4, $4  }
0x135: {  	s29 =	sshll.u32 s26, $0x11;
	[tilespmem:s30+$0x2F0] =	vst v10  }
0x136: {  	s0 =	sadd.s32 s2, s29;
	[tilespmem:s30+$0x370] =	vst v9  }
0x137: {  	s0 =	sadd.s32 s6, s0;
	[tilespmem:s30+$0x70] =	vst v63  }
0x138: {  	[hbm4b:s0+s18] =	stream.strided.scatter [tilespmem:s20], [sflag:$0x3], $0x4000, s19, s18, $0x38;
	[tilespmem:$0x1C800] =	vst v63  }
.Ltmp5:
0x139: {  	(pc) =	sbr.rel .LBB2_9-.Ltmp5, $4  }
0x13a: {  	_ = 	snop  }
0x13b: {  	_ =	swait.ge [sflag:s21], $0x4000  }
0x13c: {  	[sflag:s21] =	ssyncset.done $0x0  }
0x13d: {  	[sflag:s21] =	ssyncadd.s32 $0xFFFFC000  }
.LBB2_8:
0x13e: {  	s0 =	sshrl.u32 s28, $0x2  }
.Ltmp6:
0x13f: {  	s0 =	sadd.s32 $0x6800, s0;
	(pc) =	sbr.rel @p0 .LBB2_10-.Ltmp6, $4  }
0x140: {  	[tilespmem:s14], [sflag:$0x1] =	stream.indirect.gather [hbm4b:s4+s12], $0x20, s0, s12, $0xb8;
	[tilespmem:$0x1C800] =	vst v63  }
0x141: {  	_ =	swait.ge [sflag:s21], $0x4000  }
0x142: {  	[sflag:s21] =	ssyncset.done $0x0  }
0x143: {  	[sflag:s21] =	ssyncadd.s32 $0xFFFFC000  }
.LBB2_9:
0x144: {  	_ =	swait.ge [sflag:s22], $0x4000  }
0x145: {  	[sflag:s22] =	ssyncset.done $0x0  }
0x146: {  	[sflag:s22] =	ssyncadd.s32 $0xFFFFC000  }
.LBB2_10:
0x147: {  	s30 =	simm.s32 $0x0  }
0x148: {  	s0 =	sand.u32 $0x18, s30  }
0x149: {  	v9 =	vmov s0  }
0x14a: {  	s31 =	simm.s32 $0x0;
	v9 =	vshrl.u32 v9, $0x3  }
0x14b: {  	s31 =	sand.u32 $0xFFFFFF80, s31;
	v15 =	vshll.u32 v9, v8  }
0x14c: {  	v9 =	vmov s31;
	v10 =	vor.u32 $0x7, v15  }
0x14d: {  	v17 =	vshll.u32 v9, $0x5;
	v9 =	vor.u32 $0x1, v15;
	v16 =	vbroadcast v10, $0x0  }
0x14e: {  	v12 =	vor.u32 $0x3, v15;
	v18 =	vor.u32 v0, v17;
	v11 =	vbroadcast v9, $0x0  }
0x14f: {  	v13 =	vor.u32 $0x5, v15;
	v12 =	vbroadcast v12, $0x0;
	v14 =	vor.u32 v18, v16  }
0x150: {  	v10 =	vor.u32 $0x2, v15;
	v13 =	vbroadcast v13, $0x0;
	v19 =	vor.u32 v18, v11  }
0x151: {  	v9 =	vbroadcast v10, $0x0;
	v10 =	vor.u32 $0x4, v15;
	v22 =	vor.u32 v18, v12  }
0x152: {  	v10 =	vbroadcast v10, $0x0;
	v26 =	vor.u32 v18, v13  }
0x153: {  	v20 =	vor.u32 v18, v9  }
0x154: {  	v21 =	vor.u32 $0x6, v15;
	v25 =	vor.u32 v7, v17;
	v23 =	vor.u32 v18, v10;
	v24 =	vld.idx.msk [tilespmem:v14+s16+$0x0], $0xffff  }
0x155: {  	s31 =	simm.s32 $0x0;
	v14 =	vbroadcast v21, $0x0;
	v21 =	vor.u32 v25, v16;
	v19 =	vld.idx.msk [tilespmem:v19+s16+$0x0], $0xffff  }
0x156: {  	s0 =	sshll.u32 s0, $0x7;
	s31 =	sand.u32 $0x3FFFF000, s31;
	v15 =	vbroadcast v15, $0x0;
	v28 =	vor.u32 v25, v11;
	v22 =	vld.idx.msk [tilespmem:v22+s16+$0x0], $0xffff  }
0x157: {  	s0 =	sor.u32 s0, s31;
	v26 =	vld.idx.msk [tilespmem:v26+s16+$0x0], $0xffff;
	v27 =	vor.u32 v18, v14  }
0x158: {  	s31 =	sadd.s32 $0x14800, s0;
	v20 =	vld.idx.msk [tilespmem:v20+s16+$0x0], $0xffff;
	v18 =	vor.u32 v15, v18  }
0x159: {  	v29 =	vor.u32 v25, v12;
	v23 =	vld.idx.msk [tilespmem:v23+s16+$0x0], $0xffff;
	[tilespmem:s31+$0x4380] =	vst v24  }
0x15a: {  	v31 =	vor.u32 v25, v10;
	[tilespmem:s31+$0x4080] =	vst v19;
	v21 =	vld.idx.msk [tilespmem:v21+s16+$0x0], $0xffff  }
0x15b: {  	v30 =	vor.u32 v6, v17;
	v24 =	vor.u32 v25, v9;
	v28 =	vld.idx.msk [tilespmem:v28+s16+$0x0], $0xffff  }
0x15c: {  	[tilespmem:s31+$0x4180] =	vst v22;
	v19 =	vld.idx.msk [tilespmem:v27+s16+$0x0], $0xffff;
	v27 =	vor.u32 v30, v16  }
0x15d: {  	[tilespmem:s31+$0x4100] =	vst v20;
	v20 =	vor.u32 v25, v13;
	v18 =	vld.idx.msk [tilespmem:v18+s16+$0x0], $0xffff  }
0x15e: {  	v22 =	vor.u32 v25, v14;
	[tilespmem:s31+$0x4200] =	vst v23;
	v23 =	vor.u32 v15, v25;
	v25 =	vld.idx.msk [tilespmem:v29+s16+$0x0], $0xffff  }
0x15f: {  	[tilespmem:s31+$0x4280] =	vst v26;
	v31 =	vld.idx.msk [tilespmem:v31+s16+$0x0], $0xffff  }
0x160: {  	v24 =	vld.idx.msk [tilespmem:v24+s16+$0x0], $0xffff;
	[tilespmem:s31+$0x4390] =	vst v21;
	v21 =	vor.u32 v30, v11  }
0x161: {  	v26 =	vld.idx.msk [tilespmem:v27+s16+$0x0], $0xffff;
	v27 =	vor.u32 v30, v9;
	[tilespmem:s31+$0x4300] =	vst v19  }
0x162: {  	[tilespmem:s31+$0x4000] =	vst v18;
	v18 =	vld.idx.msk [tilespmem:v20+s16+$0x0], $0xffff;
	v20 =	vor.u32 v30, v12  }
0x163: {  	v29 =	vor.u32 v5, v17;
	[tilespmem:s31+$0x4090] =	vst v28;
	v28 =	vor.u32 v30, v10;
	v22 =	vld.idx.msk [tilespmem:v22+s16+$0x0], $0xffff  }
0x164: {  	v19 =	vor.u32 v29, v16;
	[tilespmem:s31+$0x4190] =	vst v25;
	v23 =	vld.idx.msk [tilespmem:v23+s16+$0x0], $0xffff  }
0x165: {  	[tilespmem:s31+$0x4110] =	vst v24;
	v24 =	vor.u32 v30, v13;
	v21 =	vld.idx.msk [tilespmem:v21+s16+$0x0], $0xffff  }
0x166: {  	v25 =	vor.u32 v30, v14;
	[tilespmem:s31+$0x4210] =	vst v31;
	v27 =	vld.idx.msk [tilespmem:v27+s16+$0x0], $0xffff  }
0x167: {  	[tilespmem:s31+$0x43A0] =	vst v26;
	v26 =	vor.u32 v15, v30;
	v20 =	vld.idx.msk [tilespmem:v20+s16+$0x0], $0xffff  }
0x168: {  	v30 =	vor.u32 v29, v11;
	[tilespmem:s31+$0x4290] =	vst v18;
	v18 =	vld.idx.msk [tilespmem:v28+s16+$0x0], $0xffff  }
0x169: {  	v31 =	vor.u32 v4, v17;
	v28 =	vor.u32 v29, v9;
	v19 =	vld.idx.msk [tilespmem:v19+s16+$0x0], $0xffff;
	[tilespmem:s31+$0x4310] =	vst v22  }
0x16a: {  	v22 =	vor.u32 v31, v16;
	[tilespmem:s31+$0x4010] =	vst v23;
	v23 =	vld.idx.msk [tilespmem:v24+s16+$0x0], $0xffff  }
0x16b: {  	v24 =	vor.u32 v29, v12;
	[tilespmem:s31+$0x40A0] =	vst v21;
	v21 =	vld.idx.msk [tilespmem:v25+s16+$0x0], $0xffff  }
0x16c: {  	v25 =	vor.u32 v29, v10;
	v26 =	vld.idx.msk [tilespmem:v26+s16+$0x0], $0xffff;
	[tilespmem:s31+$0x4120] =	vst v27  }
0x16d: {  	v27 =	vor.u32 v29, v13;
	v30 =	vld.idx.msk [tilespmem:v30+s16+$0x0], $0xffff;
	[tilespmem:s31+$0x41A0] =	vst v20  }
0x16e: {  	[tilespmem:s31+$0x43B0] =	vst v19;
	v19 =	vor.u32 v29, v14;
	v28 =	vld.idx.msk [tilespmem:v28+s16+$0x0], $0xffff  }
0x16f: {  	[tilespmem:s31+$0x4220] =	vst v18;
	v20 =	vld.idx.msk [tilespmem:v22+s16+$0x0], $0xffff;
	v22 =	vor.u32 v15, v29;
	v29 =	vor.u32 v3, v17  }
0x170: {  	v18 =	vld.idx.msk [tilespmem:v24+s16+$0x0], $0xffff;
	[tilespmem:s31+$0x42A0] =	vst v23;
	v23 =	vor.u32 v29, v16  }
0x171: {  	v24 =	vor.u32 v31, v11;
	v25 =	vld.idx.msk [tilespmem:v25+s16+$0x0], $0xffff;
	[tilespmem:s31+$0x4320] =	vst v21  }
0x172: {  	v21 =	vor.u32 v31, v9;
	[tilespmem:s31+$0x4020] =	vst v26;
	v26 =	vld.idx.msk [tilespmem:v27+s16+$0x0], $0xffff  }
0x173: {  	v27 =	vor.u32 v31, v12;
	[tilespmem:s31+$0x40B0] =	vst v30;
	v19 =	vld.idx.msk [tilespmem:v19+s16+$0x0], $0xffff  }
0x174: {  	v30 =	vor.u32 v31, v10;
	v22 =	vld.idx.msk [tilespmem:v22+s16+$0x0], $0xffff;
	[tilespmem:s31+$0x43C0] =	vst v20  }
0x175: {  	[tilespmem:s31+$0x4130] =	vst v28;
	v20 =	vor.u32 v31, v13;
	v23 =	vld.idx.msk [tilespmem:v23+s16+$0x0], $0xffff  }
0x176: {  	v32 =	vor.u32 v2, v17;
	v28 =	vor.u32 v31, v14;
	v24 =	vld.idx.msk [tilespmem:v24+s16+$0x0], $0xffff;
	[tilespmem:s31+$0x41B0] =	vst v18  }
0x177: {  	v18 =	vld.idx.msk [tilespmem:v21+s16+$0x0], $0xffff;
	[tilespmem:s31+$0x4230] =	vst v25;
	v21 =	vor.u32 v32, v16  }
0x178: {  	v25 =	vor.u32 v15, v31;
	v27 =	vld.idx.msk [tilespmem:v27+s16+$0x0], $0xffff;
	[tilespmem:s31+$0x42B0] =	vst v26  }
0x179: {  	v26 =	vor.u32 v29, v11;
	v30 =	vld.idx.msk [tilespmem:v30+s16+$0x0], $0xffff;
	[tilespmem:s31+$0x4330] =	vst v19  }
0x17a: {  	v19 =	vor.u32 v29, v9;
	[tilespmem:s31+$0x4030] =	vst v22;
	v20 =	vld.idx.msk [tilespmem:v20+s16+$0x0], $0xffff  }
0x17b: {  	v22 =	vor.u32 v29, v12;
	v31 =	vld.idx.msk [tilespmem:v28+s16+$0x0], $0xffff;
	[tilespmem:s31+$0x43D0] =	vst v23  }
0x17c: {  	v23 =	vor.u32 v29, v10;
	[tilespmem:s31+$0x40C0] =	vst v24;
	v21 =	vld.idx.msk [tilespmem:v21+s16+$0x0], $0xffff  }
0x17d: {  	v24 =	vor.u32 v29, v13;
	v33 =	vld.idx.msk [tilespmem:v25+s16+$0x0], $0xffff;
	[tilespmem:s31+$0x4140] =	vst v18  }
0x17e: {  	v17 =	vor.u32 v1, v17;
	v36 =	vor.u32 v29, v14;
	v18 =	vld.idx.msk [tilespmem:v26+s16+$0x0], $0xffff;
	[tilespmem:s31+$0x41C0] =	vst v27  }
0x17f: {  	v38 =	vor.u32 v32, v11;
	v34 =	vor.u32 v17, v16;
	[tilespmem:s31+$0x4240] =	vst v30;
	v37 =	vld.idx.msk [tilespmem:v19+s16+$0x0], $0xffff  }
0x180: {  	v35 =	vor.u32 v15, v29;
	v16 =	vor.u32 v17, v11;
	v39 =	vld.idx.msk [tilespmem:v22+s16+$0x0], $0xffff;
	[tilespmem:s31+$0x42C0] =	vst v20  }
0x181: {  	v25 =	vor.u32 v32, v10;
	v27 =	vor.u32 v32, v9;
	[tilespmem:s31+$0x4340] =	vst v31;
	v28 =	vld.idx.msk [tilespmem:v23+s16+$0x0], $0xffff  }
0x182: {  	v26 =	vor.u32 v32, v12;
	v12 =	vor.u32 v17, v12;
	v29 =	vld.idx.msk [tilespmem:v24+s16+$0x0], $0xffff;
	[tilespmem:s31+$0x43E0] =	vst v21  }
0x183: {  	v19 =	vor.u32 v15, v32;
	v22 =	vor.u32 v32, v13;
	v30 =	vld.idx.msk [tilespmem:v36+s16+$0x0], $0xffff;
	[tilespmem:s31+$0x4040] =	vst v33  }
0x184: {  	v20 =	vor.u32 v17, v13;
	v24 =	vor.u32 v32, v14;
	v11 =	vld.idx.msk [tilespmem:v34+s16+$0x0], $0xffff;
	[tilespmem:s31+$0x40D0] =	vst v18  }
0x185: {  	v23 =	vor.u32 v17, v9;
	v21 =	vor.u32 v17, v10;
	v10 =	vld.idx.msk [tilespmem:v35+s16+$0x0], $0xffff;
	[tilespmem:s31+$0x4150] =	vst v37  }
0x186: {  	v18 =	vor.u32 v15, v17;
	v17 =	vor.u32 v17, v14;
	v9 =	vld.idx.msk [tilespmem:v38+s16+$0x0], $0xffff;
	[tilespmem:s31+$0x41D0] =	vst v39  }
.LBB2_11:
0x187: {  	s30 =	sadd.s32 $0x8, s30;
	v13 =	vld.idx.msk [tilespmem:v27+s16+$0x0], $0xffff;
	[tilespmem:s31+$0x4250] =	vst v28  }
0x188: {  	s0 =	sand.u32 $0x18, s30;
	p0 =	slt.u32 s30, $0x78;
	v14 =	vld.idx.msk [tilespmem:v26+s16+$0x0], $0xffff;
	[tilespmem:s31+$0x42D0] =	vst v29  }
0x189: {  	v15 =	vmov s0;
	v25 =	vld.idx.msk [tilespmem:v25+s16+$0x0], $0xffff;
	[tilespmem:s31+$0x43F0] =	vst v11  }
0x18a: {  	s1 =	sshll.u32 s30, $0x2;
	v11 =	vshrl.u32 v15, $0x3;
	v15 =	vld.idx.msk [tilespmem:v22+s16+$0x0], $0xffff;
	[tilespmem:s31+$0x4350] =	vst v30  }
0x18b: {  	s1 =	sand.u32 $0xFFFFFF80, s1;
	v22 =	vshll.u32 v11, v8;
	[tilespmem:s31+$0x4050] =	vst v10;
	v11 =	vld.idx.msk [tilespmem:v24+s16+$0x0], $0xffff  }
0x18c: {  	v10 =	vmov s1;
	v24 =	vor.u32 $0x1, v22;
	v26 =	vor.u32 $0x7, v22;
	v19 =	vld.idx.msk [tilespmem:v19+s16+$0x0], $0xffff;
	[tilespmem:s31+$0x40E0] =	vst v9  }
0x18d: {  	v10 =	vshll.u32 v10, $0x5;
	v27 =	vor.u32 $0x2, v22;
	v9 =	vbroadcast v26, $0x0;
	v26 =	vld.idx.msk [tilespmem:v16+s16+$0x0], $0xffff;
	[tilespmem:s31+$0x4160] =	vst v13  }
0x18e: {  	v29 =	vor.u32 $0x4, v22;
	v28 =	vor.u32 v0, v10;
	v13 =	vor.u32 $0x3, v22;
	v23 =	vld.idx.msk [tilespmem:v23+s16+$0x0], $0xffff;
	[tilespmem:s31+$0x41E0] =	vst v14  }
0x18f: {  	v30 =	vor.u32 $0x5, v22;
	v31 =	vor.u32 $0x6, v22;
	v32 =	vor.u32 v28, v9;
	v33 =	vld.idx.msk [tilespmem:v12+s16+$0x0], $0xffff;
	[tilespmem:s31+$0x4260] =	vst v25  }
0x190: {  	v16 =	vbroadcast v24, $0x0;
	v12 =	vbroadcast v27, $0x0;
	v21 =	vld.idx.msk [tilespmem:v21+s16+$0x0], $0xffff;
	[tilespmem:s31+$0x42E0] =	vst v15  }
0x191: {  	v14 =	vbroadcast v13, $0x0;
	v13 =	vbroadcast v29, $0x0;
	v20 =	vld.idx.msk [tilespmem:v20+s16+$0x0], $0xffff;
	[tilespmem:s31+$0x4360] =	vst v11  }
0x192: {  	v24 =	vor.u32 v28, v16;
	v15 =	vbroadcast v30, $0x0;
	v11 =	vbroadcast v31, $0x0;
	[tilespmem:s31+$0x4060] =	vst v19;
	v19 =	vld.idx.msk [tilespmem:v17+s16+$0x0], $0xffff  }
0x193: {  	v25 =	vor.u32 v28, v14;
	v17 =	vbroadcast v22, $0x0;
	v22 =	vor.u32 v28, v12;
	v18 =	vld.idx.msk [tilespmem:v18+s16+$0x0], $0xffff;
	[tilespmem:s31+$0x40F0] =	vst v26  }
0x194: {  	v27 =	vor.u32 v28, v15;
	v26 =	vor.u32 v28, v13;
	v29 =	vor.u32 v28, v11;
	v30 =	vld.idx.msk [tilespmem:v32+s16+$0x0], $0xffff  }
0x195: {  	v31 =	vor.u32 v7, v10;
	v28 =	vor.u32 v17, v28;
	[tilespmem:s31+$0x4170] =	vst v23  }
0x196: {  	s1 =	sshll.u32 s30, $0x7;
	v34 =	vor.u32 v31, v9;
	v32 =	vor.u32 v31, v12;
	v23 =	vor.u32 v31, v16;
	[tilespmem:s31+$0x41F0] =	vst v33  }
0x197: {  	s0 =	sshll.u32 s0, $0x7;
	s1 =	sand.u32 $0x3FFFF000, s1;
	v35 =	vor.u32 v31, v13;
	v36 =	vor.u32 v31, v15;
	v33 =	vor.u32 v31, v14;
	v24 =	vld.idx.msk [tilespmem:v24+s16+$0x0], $0xffff  }
0x198: {  	s0 =	sor.u32 s0, s1;
	v37 =	vor.u32 v17, v31;
	v31 =	vor.u32 v31, v11;
	v22 =	vld.idx.msk [tilespmem:v22+s16+$0x0], $0xffff;
	[tilespmem:s31+$0x4270] =	vst v21  }
0x199: {  	s0 =	sadd.s32 $0x14800, s0;
	v21 =	vld.idx.msk [tilespmem:v25+s16+$0x0], $0xffff;
	[tilespmem:s31+$0x42F0] =	vst v20  }
0x19a: {  	v20 =	vld.idx.msk [tilespmem:v26+s16+$0x0], $0xffff;
	[tilespmem:s0+$0x4380] =	vst v30  }
0x19b: {  	v25 =	vld.idx.msk [tilespmem:v34+s16+$0x0], $0xffff;
	[tilespmem:s31+$0x4370] =	vst v19  }
0x19c: {  	v19 =	vor.u32 v6, v10;
	v26 =	vld.idx.msk [tilespmem:v27+s16+$0x0], $0xffff;
	[tilespmem:s31+$0x4070] =	vst v18;
	s31 =	smov.u32 s0  }
0x19d: {  	v18 =	vor.u32 v19, v16;
	v27 =	vor.u32 v19, v9;
	[tilespmem:s31+$0x4080] =	vst v24;
	v24 =	vld.idx.msk [tilespmem:v29+s16+$0x0], $0xffff  }
0x19e: {  	v29 =	vor.u32 v19, v14;
	v28 =	vld.idx.msk [tilespmem:v28+s16+$0x0], $0xffff;
	[tilespmem:s31+$0x4100] =	vst v22;
	v22 =	vor.u32 v19, v12  }
0x19f: {  	v30 =	vor.u32 v19, v15;
	v23 =	vld.idx.msk [tilespmem:v23+s16+$0x0], $0xffff;
	[tilespmem:s31+$0x4180] =	vst v21;
	v21 =	vor.u32 v19, v13  }
0x1a0: {  	v34 =	vor.u32 v17, v19;
	v19 =	vor.u32 v19, v11;
	v32 =	vld.idx.msk [tilespmem:v32+s16+$0x0], $0xffff;
	[tilespmem:s31+$0x4200] =	vst v20  }
0x1a1: {  	v20 =	vld.idx.msk [tilespmem:v33+s16+$0x0], $0xffff;
	[tilespmem:s31+$0x4390] =	vst v25  }
0x1a2: {  	[tilespmem:s31+$0x4280] =	vst v26;
	v25 =	vld.idx.msk [tilespmem:v27+s16+$0x0], $0xffff  }
0x1a3: {  	v26 =	vor.u32 v5, v10;
	v27 =	vld.idx.msk [tilespmem:v35+s16+$0x0], $0xffff;
	[tilespmem:s31+$0x4300] =	vst v24  }
0x1a4: {  	v24 =	vor.u32 v26, v16;
	v33 =	vor.u32 v26, v9;
	[tilespmem:s31+$0x4000] =	vst v28;
	v28 =	vld.idx.msk [tilespmem:v36+s16+$0x0], $0xffff  }
0x1a5: {  	v35 =	vor.u32 v26, v14;
	[tilespmem:s31+$0x4090] =	vst v23;
	v23 =	vor.u32 v26, v12;
	v31 =	vld.idx.msk [tilespmem:v31+s16+$0x0], $0xffff  }
0x1a6: {  	v36 =	vld.idx.msk [tilespmem:v37+s16+$0x0], $0xffff;
	[tilespmem:s31+$0x4110] =	vst v32;
	v32 =	vor.u32 v26, v13;
	v37 =	vor.u32 v26, v15  }
0x1a7: {  	v38 =	vor.u32 v17, v26;
	v18 =	vld.idx.msk [tilespmem:v18+s16+$0x0], $0xffff;
	[tilespmem:s31+$0x4190] =	vst v20;
	v20 =	vor.u32 v26, v11  }
0x1a8: {  	v22 =	vld.idx.msk [tilespmem:v22+s16+$0x0], $0xffff;
	[tilespmem:s31+$0x43A0] =	vst v25  }
0x1a9: {  	[tilespmem:s31+$0x4210] =	vst v27;
	v25 =	vld.idx.msk [tilespmem:v33+s16+$0x0], $0xffff  }
0x1aa: {  	v26 =	vor.u32 v4, v10;
	v27 =	vld.idx.msk [tilespmem:v29+s16+$0x0], $0xffff;
	[tilespmem:s31+$0x4290] =	vst v28  }
0x1ab: {  	v28 =	vor.u32 v26, v16;
	v29 =	vor.u32 v26, v9;
	v21 =	vld.idx.msk [tilespmem:v21+s16+$0x0], $0xffff;
	[tilespmem:s31+$0x4310] =	vst v31  }
0x1ac: {  	v33 =	vor.u32 v26, v14;
	v31 =	vor.u32 v26, v12;
	[tilespmem:s31+$0x4010] =	vst v36;
	v30 =	vld.idx.msk [tilespmem:v30+s16+$0x0], $0xffff  }
0x1ad: {  	v36 =	vor.u32 v26, v15;
	[tilespmem:s31+$0x40A0] =	vst v18;
	v18 =	vor.u32 v26, v13;
	v19 =	vld.idx.msk [tilespmem:v19+s16+$0x0], $0xffff  }
0x1ae: {  	v39 =	vor.u32 v17, v26;
	v40 =	vor.u32 v26, v11;
	v34 =	vld.idx.msk [tilespmem:v34+s16+$0x0], $0xffff;
	[tilespmem:s31+$0x4120] =	vst v22  }
0x1af: {  	v22 =	vld.idx.msk [tilespmem:v24+s16+$0x0], $0xffff;
	[tilespmem:s31+$0x43B0] =	vst v25  }
0x1b0: {  	[tilespmem:s31+$0x41A0] =	vst v27;
	v24 =	vld.idx.msk [tilespmem:v29+s16+$0x0], $0xffff  }
0x1b1: {  	v25 =	vor.u32 v3, v10;
	v23 =	vld.idx.msk [tilespmem:v23+s16+$0x0], $0xffff;
	[tilespmem:s31+$0x4220] =	vst v21  }
0x1b2: {  	v27 =	vor.u32 v25, v9;
	v21 =	vor.u32 v25, v16;
	v26 =	vld.idx.msk [tilespmem:v35+s16+$0x0], $0xffff;
	[tilespmem:s31+$0x42A0] =	vst v30  }
0x1b3: {  	v29 =	vor.u32 v25, v12;
	v30 =	vor.u32 v25, v14;
	v32 =	vld.idx.msk [tilespmem:v32+s16+$0x0], $0xffff;
	[tilespmem:s31+$0x4320] =	vst v19  }
0x1b4: {  	v35 =	vor.u32 v25, v15;
	[tilespmem:s31+$0x4020] =	vst v34;
	v34 =	vor.u32 v25, v13;
	v19 =	vld.idx.msk [tilespmem:v37+s16+$0x0], $0xffff  }
0x1b5: {  	v41 =	vor.u32 v25, v11;
	v37 =	vor.u32 v17, v25;
	[tilespmem:s31+$0x40B0] =	vst v22;
	v20 =	vld.idx.msk [tilespmem:v20+s16+$0x0], $0xffff  }
0x1b6: {  	v38 =	vld.idx.msk [tilespmem:v38+s16+$0x0], $0xffff;
	[tilespmem:s31+$0x43C0] =	vst v24  }
0x1b7: {  	[tilespmem:s31+$0x4130] =	vst v23;
	v23 =	vld.idx.msk [tilespmem:v27+s16+$0x0], $0xffff  }
0x1b8: {  	v24 =	vor.u32 v2, v10;
	v28 =	vld.idx.msk [tilespmem:v28+s16+$0x0], $0xffff;
	[tilespmem:s31+$0x41B0] =	vst v26  }
0x1b9: {  	v42 =	vor.u32 v24, v16;
	v31 =	vld.idx.msk [tilespmem:v31+s16+$0x0], $0xffff;
	[tilespmem:s31+$0x4230] =	vst v32;
	v32 =	vor.u32 v24, v9  }
0x1ba: {  	v27 =	vor.u32 v24, v12;
	v26 =	vor.u32 v24, v14;
	v33 =	vld.idx.msk [tilespmem:v33+s16+$0x0], $0xffff;
	[tilespmem:s31+$0x42B0] =	vst v19  }
0x1bb: {  	v25 =	vor.u32 v24, v13;
	v22 =	vor.u32 v24, v15;
	v18 =	vld.idx.msk [tilespmem:v18+s16+$0x0], $0xffff;
	[tilespmem:s31+$0x4330] =	vst v20  }
0x1bc: {  	v19 =	vor.u32 v17, v24;
	v24 =	vor.u32 v24, v11;
	[tilespmem:s31+$0x4030] =	vst v38;
	v20 =	vld.idx.msk [tilespmem:v36+s16+$0x0], $0xffff  }
0x1bd: {  	v36 =	vld.idx.msk [tilespmem:v40+s16+$0x0], $0xffff;
	[tilespmem:s31+$0x43D0] =	vst v23  }
0x1be: {  	[tilespmem:s31+$0x40C0] =	vst v28;
	v32 =	vld.idx.msk [tilespmem:v32+s16+$0x0], $0xffff  }
0x1bf: {  	v10 =	vor.u32 v1, v10;
	v38 =	vld.idx.msk [tilespmem:v39+s16+$0x0], $0xffff;
	[tilespmem:s31+$0x4140] =	vst v31  }
0x1c0: {  	v16 =	vor.u32 v10, v16;
	v9 =	vor.u32 v10, v9;
	v31 =	vld.idx.msk [tilespmem:v21+s16+$0x0], $0xffff;
	[tilespmem:s31+$0x41C0] =	vst v33  }
0x1c1: {  	v23 =	vor.u32 v10, v12;
	v12 =	vor.u32 v10, v14;
	v33 =	vld.idx.msk [tilespmem:v29+s16+$0x0], $0xffff;
	[tilespmem:s31+$0x4240] =	vst v18  }
0x1c2: {  	v21 =	vor.u32 v10, v13;
	v14 =	vld.idx.msk [tilespmem:v30+s16+$0x0], $0xffff;
	[tilespmem:s31+$0x42C0] =	vst v20;
	v20 =	vor.u32 v10, v15  }
0x1c3: {  	v18 =	vor.u32 v17, v10;
	v17 =	vor.u32 v10, v11;
	v28 =	vld.idx.msk [tilespmem:v34+s16+$0x0], $0xffff;
	[tilespmem:s31+$0x4340] =	vst v36  }
.Ltmp7:
0x1c4: {  	v29 =	vld.idx.msk [tilespmem:v35+s16+$0x0], $0xffff;
	[tilespmem:s31+$0x43E0] =	vst v32;
	(pc) =	sbr.rel @p0 .LBB2_11-.Ltmp7, $4  }
0x1c5: {  	[tilespmem:s31+$0x4040] =	vst v38;
	v11 =	vld.idx.msk [tilespmem:v9+s16+$0x0], $0xffff  }
0x1c6: {  	[tilespmem:s31+$0x40D0] =	vst v31;
	v30 =	vld.idx.msk [tilespmem:v41+s16+$0x0], $0xffff  }
0x1c7: {  	v10 =	vld.idx.msk [tilespmem:v37+s16+$0x0], $0xffff;
	[tilespmem:s31+$0x4150] =	vst v33  }
0x1c8: {  	v9 =	vld.idx.msk [tilespmem:v42+s16+$0x0], $0xffff;
	[tilespmem:s31+$0x41D0] =	vst v14  }
0x1c9: {  	_ =	sdelay $0x2  }
0x1ca: {  	[tilespmem:s31+$0x4250] =	vst v28  }
0x1cb: {  	v13 =	vld.idx.msk [tilespmem:v27+s16+$0x0], $0xffff;
	[tilespmem:s31+$0x42D0] =	vst v29  }
0x1cc: {  	v14 =	vld.idx.msk [tilespmem:v26+s16+$0x0], $0xffff;
	[tilespmem:s31+$0x43F0] =	vst v11  }
0x1cd: {  	v11 =	vld.idx.msk [tilespmem:v25+s16+$0x0], $0xffff;
	[tilespmem:s31+$0x4350] =	vst v30  }
0x1ce: {  	v15 =	vld.idx.msk [tilespmem:v22+s16+$0x0], $0xffff;
	[tilespmem:s31+$0x4050] =	vst v10  }
0x1cf: {  	v10 =	vld.idx.msk [tilespmem:v24+s16+$0x0], $0xffff;
	[tilespmem:s31+$0x40E0] =	vst v9  }
0x1d0: {  	v9 =	vld.idx.msk [tilespmem:v19+s16+$0x0], $0xffff;
	[tilespmem:s31+$0x4160] =	vst v13  }
0x1d1: {  	v60 =	vld.idx.msk [tilespmem:v16+s16+$0x0], $0xffff;
	[tilespmem:s31+$0x41E0] =	vst v14  }
0x1d2: {  	v61 =	vld.idx.msk [tilespmem:v23+s16+$0x0], $0xffff;
	[tilespmem:s31+$0x4260] =	vst v11  }
0x1d3: {  	v11 =	vld.idx.msk [tilespmem:v12+s16+$0x0], $0xffff;
	[tilespmem:s31+$0x42E0] =	vst v15  }
0x1d4: {  	v62 =	vld.idx.msk [tilespmem:v21+s16+$0x0], $0xffff;
	[tilespmem:s31+$0x4360] =	vst v10  }
0x1d5: {  	v10 =	vld.idx.msk [tilespmem:v20+s16+$0x0], $0xffff;
	[tilespmem:s31+$0x4060] =	vst v9  }
0x1d6: {  	v9 =	vld.idx.msk [tilespmem:v17+s16+$0x0], $0xffff;
	[tilespmem:s31+$0x40F0] =	vst v60  }
0x1d7: {  	v63 =	vld.idx.msk [tilespmem:v18+s16+$0x0], $0xffff;
	[tilespmem:s31+$0x4170] =	vst v61  }
0x1d8: {  	p0 =	seq.s32 s26, $0x18;
	[tilespmem:s31+$0x41F0] =	vst v11  }
.Ltmp8:
0x1d9: {  	[tilespmem:s31+$0x4270] =	vst v62;
	(pc) =	sbr.rel @p0 .LBB2_14-.Ltmp8, $4  }
0x1da: {  	[tilespmem:s31+$0x42F0] =	vst v10  }
0x1db: {  	s0 =	sadd.s32 s29, s7;
	[tilespmem:s31+$0x4370] =	vst v9  }
0x1dc: {  	s0 =	sadd.s32 s6, s0;
	[tilespmem:s31+$0x4070] =	vst v63  }
0x1dd: {  	[hbm4b:s0+s18] =	stream.strided.scatter [tilespmem:s23], [sflag:$0x4], $0x4000, s19, s18, $0x38;
	[tilespmem:$0x1C800] =	vst v63  }
.Ltmp9:
0x1de: {  	(pc) =	sbr.rel .LBB2_4-.Ltmp9, $4  }
0x1df: {  	_ = 	snop  }
0x1e0: {  	s0 =	sshrl.u32 s28, $0x2  }
0x1e1: {  	s26 =	sadd.s32 $0x1, s26;
	s0 =	sadd.s32 $0x6A00, s0  }
0x1e2: {  	[tilespmem:s16], [sflag:$0x2] =	stream.indirect.gather [hbm4b:s4+s12], $0x20, s0, s12, $0xb8;
	[tilespmem:$0x1C800] =	vst v63  }
.LBB2_15:
0x1e3: {  	_ =	sfence.sel $0x180000  }
0x1e4: {  	[bflag:$0x0] =	sbarrier.arrive $0xFFFF  }
0x1e5: {  	_ =	strace $0x90000047  }
0x1e6: {  	s0 =	stileid.u32;
	[bflag:$0x2] =	sbarrier.arrive $0xFFFF  }
0x1e7: {  	p0 =	sne.s32 s0, $0x0;
	s0 =	rddreg [dreg:$0x2]  }
0x1e8: {  	s0 =	sadd.s32 @!p0 $0x100000, s0  }
0x1e9: {  	[sflag:s0] =	ssyncadd.tile.s32 @!p0 $0x1;
	_ =	shalt  }
.Lfunc_end2:
_tile_overlayer_lowered:
.L_overlay_start_2:
0x1ea: {  	(tag) =	ssettag $0x2  }
0x1eb: {  	s0 =	rddreg [dreg:$0x0];
	s2 =	stileid.u32  }
0x1ec: {  	s1 =	rddreg [dreg:$0x1];
	p0 =	sne.s32 s2, $0x0  }
0x1ed: {  	s3 =	rddreg [dreg:$0x2];
	[bflag:$0x3] =	sbarrier.arrive $0xFFFF;
	s2 =	simm.s32 @!p0 $0x1C05  }
0x1ee: {  	[timem:s3], [sflag:s2] =	dma.local @!p0 [hbm:s0], s1  }
0x1ef: {  	s0 =	simm.s32 @!p0 $0x5  }
0x1f0: {  	_ =	swait.ge @!p0 [sflag:s0], s1  }
0x1f1: {  	s1 =	ssub.s32 @!p0 $0x0, s1;
	[sflag:s0] =	ssyncset.done @!p0 $0x0  }
0x1f2: {  	[sflag:s0] =	ssyncadd.s32 @!p0 s1  }
0x1f3: {  	[bflag:$0x3] =	sbarrier.arrive $0xFFFF  }
0x1f4: {  	_ =	shalt  }

</sc_bundles>
